<compile_context>
chip_gen: v7x
topology: tpu7x:2x2x1
jax: 0.10.2.dev20260603
libtpu: 0.0.44.dev20260713+nightly
codegen_flags: <defaults>
</compile_context>

<pallas_src>
import functools

import jax
import jax.numpy as jnp
from jax import lax
from jax.experimental import pallas as pl
from jax.experimental.pallas import tpu as pltpu
from jax.experimental.pallas import tpu_sc as plsc

N = 1048576
NC = 2
NS = 16
L = 16
NW = NC * NS
C = 2048

N_SC = 393216
R = N_SC // NW
NCHUNK = R // C
GPC = C // L

BB = 1024
N_TC = N - N_SC
TC_BLOCKS = N_TC // 128
TC_GRID = TC_BLOCKS // BB
TC_OFF = (N_SC // 128) // BB


def _huber(p, t):
    a = jnp.abs(p - t)
    q = jnp.minimum(a, 1.0)
    return 0.5 * q * q + (a - q)


def _sc_loss(pred_flat, labels, targ_flat):
    mesh = plsc.VectorSubcoreMesh(
        core_axis_name="c", subcore_axis_name="s",
        num_cores=NC, num_subcores=NS,
    )

    @functools.partial(
        pl.kernel,
        mesh=mesh,
        out_type=jax.ShapeDtypeStruct((8, 128), jnp.float32),
        scratch_types=[
            pltpu.VMEM((4 * C,), jnp.float32),
            pltpu.VMEM((4 * C,), jnp.float32),
            pltpu.VMEM((C,), jnp.int32),
            pltpu.VMEM((4 * C,), jnp.float32),
            pltpu.VMEM((4 * C,), jnp.float32),
            pltpu.VMEM((C,), jnp.int32),
            pltpu.VMEM((L,), jnp.float32),
            pltpu.VMEM((L,), jnp.float32),
            pltpu.SemaphoreType.DMA,
            pltpu.SemaphoreType.DMA,
        ],
    )
    def k(pred_hbm, lab_hbm, targ_hbm, out_hbm,
          p0, t0, l0, p1, t1, l1, acc_v, cnt_v, sem0, sem1):
        cid = lax.axis_index("c")
        sid = lax.axis_index("s")
        wid = sid * NC + cid
        base = wid * R

        bufs = ((p0, t0, l0), (p1, t1, l1))
        sems = (sem0, sem1)

        def start(ci, bi):
            pb, tb, lb = bufs[bi]
            r0 = base + ci * C
            pltpu.async_copy(pred_hbm.at[pl.ds(4 * r0, 4 * C)], pb, sems[bi])
            pltpu.async_copy(targ_hbm.at[pl.ds(4 * r0, 4 * C)], tb, sems[bi])
            pltpu.async_copy(lab_hbm.at[pl.ds(r0, C)], lb, sems[bi])

        def wait(ci, bi):
            pb, tb, lb = bufs[bi]
            r0 = base + ci * C
            pltpu.make_async_copy(pred_hbm.at[pl.ds(4 * r0, 4 * C)], pb, sems[bi]).wait()
            pltpu.make_async_copy(targ_hbm.at[pl.ds(4 * r0, 4 * C)], tb, sems[bi]).wait()
            pltpu.make_async_copy(lab_hbm.at[pl.ds(r0, C)], lb, sems[bi]).wait()

        def chunk(bi, acc, cnt):
            pb, tb, lb = bufs[bi]

            def body(i, carry):
                a, c = carry
                lab = lb[pl.ds(i * L, L)]
                m = jnp.where(lab == 1, 1.0, 0.0).astype(jnp.float32)
                c = c + m
                off = i * L + lax.shift_right_logical(i, 3) * 384
                h = _huber(pb[pl.ds(off, L)], tb[pl.ds(off, L)])
                for j in range(1, 4):
                    h = h + _huber(pb[pl.ds(off + j * 128, L)],
                                   tb[pl.ds(off + j * 128, L)])
                a = a + m * h
                return a, c

            return lax.fori_loop(0, GPC, body, (acc, cnt))

        start(0, 0)
        start(1, 1)

        def pair(p, carry):
            acc, cnt = carry
            for b in range(2):
                ci = 2 * p + b
                wait(ci, b)
                acc, cnt = chunk(b, acc, cnt)

                @pl.when(ci + 2 < NCHUNK)
                def _():
                    start(ci + 2, b)

            return acc, cnt

        acc, cnt = lax.fori_loop(
            0, NCHUNK // 2, pair,
            (jnp.zeros((L,), jnp.float32), jnp.zeros((L,), jnp.float32)),
        )
        acc_v[...] = acc
        cnt_v[...] = cnt
        row = lax.shift_right_logical(wid, 3)
        col = (wid & 7) * L
        pltpu.sync_copy(acc_v, out_hbm.at[row, pl.ds(col, L)])
        pltpu.sync_copy(cnt_v, out_hbm.at[row + 4, pl.ds(col, L)])

    return k(pred_flat, labels, targ_flat)


def _tc_body(p_ref, l_ref, t_ref, acc_ref, cnt_ref):
    i = pl.program_id(0)

    @pl.when(i == 0)
    def _():
        acc_ref[...] = jnp.zeros_like(acc_ref)
        cnt_ref[...] = jnp.zeros_like(cnt_ref)

    h = _huber(p_ref[...], t_ref[...])
    m = (l_ref[...] == 1).astype(jnp.float32)
    masked = h.reshape(BB, 4, 128) * m[:, None, :]
    acc_ref[...] += jnp.sum(masked.reshape(BB * 4 // 8, 8, 128), axis=0)
    cnt_ref[...] += jnp.sum(m.reshape(BB // 8, 8, 128), axis=0)


def _tc_loss(pred2, labels2, targ2):
    data_spec = pl.BlockSpec((4 * BB, 128), lambda i: (TC_OFF + i, 0))
    lab_spec = pl.BlockSpec((BB, 128), lambda i: (TC_OFF + i, 0))
    out_spec = pl.BlockSpec((8, 128), lambda i: (0, 0))
    return pl.pallas_call(
        _tc_body,
        grid=(TC_GRID,),
        in_specs=[data_spec, lab_spec, data_spec],
        out_specs=(out_spec, out_spec),
        out_shape=(
            jax.ShapeDtypeStruct((8, 128), jnp.float32),
            jax.ShapeDtypeStruct((8, 128), jnp.float32),
        ),
    )(pred2, labels2, targ2)


def _combine_body(s_ref, ta_ref, tcn_ref, out_ref):
    total = jnp.sum(s_ref[0:4, :]) + jnp.sum(ta_ref[...])
    cnt = jnp.sum(s_ref[4:8, :]) + jnp.sum(tcn_ref[...])
    out_ref[...] = jnp.broadcast_to(total * 0.25 / cnt, (1, 1))


def _combine(sc_out, tc_acc, tc_cnt):
    return pl.pallas_call(
        _combine_body,
        out_shape=jax.ShapeDtypeStruct((1, 1), jnp.float32),
    )(sc_out, tc_acc, tc_cnt)


def kernel(out_bbox, labels, bbox_targets):
    pred = out_bbox.reshape(N // 128, 128, 4).transpose(0, 2, 1).reshape(-1)
    targ = bbox_targets.reshape(N // 128, 128, 4).transpose(0, 2, 1).reshape(-1)
    sc_out = _sc_loss(pred, labels, targ)
    tc_acc, tc_cnt = _tc_loss(
        pred.reshape(N * 4 // 128, 128),
        labels.reshape(N // 128, 128),
        targ.reshape(N * 4 // 128, 128),
    )
    return _combine(sc_out, tc_acc, tc_cnt)[0, 0]

# --- scband reference (transcript-rebuilt; emitter-appended) ---
"""Pipeline reference for scband-loss-bbox-78632261255862 (READ-ONLY COPY).

The authoritative reference and input builder live on the scoring server;
editing this copy changes nothing except your own understanding.
"""

import jax, jax.numpy as jnp
import numpy as np


def _huber_elem(y_true, y_pred, delta=1.0):
    err = y_pred - y_true
    abs_err = jnp.abs(err)
    quad = jnp.minimum(abs_err, delta)
    lin = abs_err - quad
    return 0.5 * quad * quad + delta * lin


def setup_inputs(seed: int = 0) -> dict:
    key = jax.random.key(seed)
    k1, k2, k3 = jax.random.split(key, 3)
    N = 1048576
    out_bbox = jax.random.normal(k1, (N, 4), dtype=jnp.float32)
    labels = jax.random.randint(k2, (N,), 0, 2, dtype=jnp.int64)
    bbox_targets = jax.random.normal(k3, (N, 4), dtype=jnp.float32)
    return {"out_bbox": out_bbox, "labels": labels, "bbox_targets": bbox_targets}


def reference(out_bbox, labels, bbox_targets):
    # Equivalent to: gather rows where label==1, then tf.keras.losses.Huber()
    # (per-sample mean over last axis, then mean over gathered rows).
    labels_flat = jnp.reshape(labels, (-1,))
    mask = (labels_flat == 1).astype(jnp.float32)
    pred = jnp.reshape(out_bbox, (-1, 4))
    target = jnp.reshape(bbox_targets, (-1, 4))
    per_elem = _huber_elem(target, pred, delta=1.0)
    per_row = jnp.mean(per_elem, axis=-1)
    num_pos = jnp.sum(mask)
    loss = jnp.sum(per_row * mask) / num_pos
    return loss

if __name__ == "__main__":
    import jax
    _d = setup_inputs()
    print(jax.jit(kernel)(*tuple(_d.values())))

</pallas_src>

<mosaic_0001>
#map = affine_map<(d0, d1) -> (0)>
#map1 = affine_map<(d0, d1) -> (0, 0)>
module attributes {stable_mosaic.version = 14 : i64} {
  func.func @k(%arg0: i32, %arg1: i32, %arg2: memref<4194304xf32, #tpu.memory_space<hbm>>, %arg3: memref<1048576xi32, #tpu.memory_space<hbm>>, %arg4: memref<4194304xf32, #tpu.memory_space<hbm>>, %arg5: memref<8x128xf32, #tpu.memory_space<hbm>>, %arg6: memref<8192xf32, #tpu.memory_space<vmem>>, %arg7: memref<8192xf32, #tpu.memory_space<vmem>>, %arg8: memref<2048xi32, #tpu.memory_space<vmem>>, %arg9: memref<8192xf32, #tpu.memory_space<vmem>>, %arg10: memref<8192xf32, #tpu.memory_space<vmem>>, %arg11: memref<2048xi32, #tpu.memory_space<vmem>>, %arg12: memref<16xf32, #tpu.memory_space<vmem>>, %arg13: memref<16xf32, #tpu.memory_space<vmem>>, %arg14: memref<!tpu.dma_semaphore, #tpu.memory_space<semaphore_mem>>, %arg15: memref<!tpu.dma_semaphore, #tpu.memory_space<semaphore_mem>>) attributes {dimension_semantics = [#tpu.dimension_semantics<core_parallel>, #tpu.dimension_semantics<subcore_parallel>], iteration_bounds = array<i64: 2, 16>, scalar_prefetch = 0 : i64, scratch_operands = 10 : i64, tpu.core_type = #tpu.core_type<sc_vector_subcore>, window_params = [{transform_indices = #map}, {transform_indices = #map}, {transform_indices = #map}, {transform_indices = #map1}]} {
    %mul3A = arith.constant 2 : i32
    %mul3A_0 = arith.muli %arg1, %mul3A : i32
    %add3A = arith.addi %mul3A_0, %arg0 : i32
    %mul3A_1 = arith.constant 12288 : i32
    %mul3A_2 = arith.muli %add3A, %mul3A_1 : i32
    %add3A_3 = arith.constant 0 : i32
    %add3A_4 = arith.addi %mul3A_2, %add3A_3 : i32
    %mul3A_5 = arith.constant 4 : i32
    %mul3A_6 = arith.muli %mul3A_5, %add3A_4 : i32
    %dma_start3A = tpu.memref_slice %arg2[%mul3A_6] : memref<4194304xf32, #tpu.memory_space<hbm>> -> memref<8192xf32, #tpu.memory_space<hbm>>
    %dma_start3A_7 = tpu.memref_slice %arg2[%mul3A_6] : memref<4194304xf32, #tpu.memory_space<hbm>> -> memref<8192xf32, #tpu.memory_space<hbm>>
    tpu.enqueue_dma source(%dma_start3A_7 : memref<8192xf32, #tpu.memory_space<hbm>>) target(%arg6 : memref<8192xf32, #tpu.memory_space<vmem>>) target_semaphore(%arg14 : memref<!tpu.dma_semaphore, #tpu.memory_space<semaphore_mem>>)
    %mul3A_8 = arith.constant 4 : i32
    %mul3A_9 = arith.muli %mul3A_8, %add3A_4 : i32
    %dma_start3A_10 = tpu.memref_slice %arg4[%mul3A_9] : memref<4194304xf32, #tpu.memory_space<hbm>> -> memref<8192xf32, #tpu.memory_space<hbm>>
    %dma_start3A_11 = tpu.memref_slice %arg4[%mul3A_9] : memref<4194304xf32, #tpu.memory_space<hbm>> -> memref<8192xf32, #tpu.memory_space<hbm>>
    tpu.enqueue_dma source(%dma_start3A_11 : memref<8192xf32, #tpu.memory_space<hbm>>) target(%arg7 : memref<8192xf32, #tpu.memory_space<vmem>>) target_semaphore(%arg14 : memref<!tpu.dma_semaphore, #tpu.memory_space<semaphore_mem>>)
    %dma_start3A_12 = tpu.memref_slice %arg3[%add3A_4] : memref<1048576xi32, #tpu.memory_space<hbm>> -> memref<2048xi32, #tpu.memory_space<hbm>>
    %dma_start3A_13 = tpu.memref_slice %arg3[%add3A_4] : memref<1048576xi32, #tpu.memory_space<hbm>> -> memref<2048xi32, #tpu.memory_space<hbm>>
    tpu.enqueue_dma source(%dma_start3A_13 : memref<2048xi32, #tpu.memory_space<hbm>>) target(%arg8 : memref<2048xi32, #tpu.memory_space<vmem>>) target_semaphore(%arg14 : memref<!tpu.dma_semaphore, #tpu.memory_space<semaphore_mem>>)
    %add3A_14 = arith.constant 2048 : i32
    %add3A_15 = arith.addi %mul3A_2, %add3A_14 : i32
    %mul3A_16 = arith.constant 4 : i32
    %mul3A_17 = arith.muli %mul3A_16, %add3A_15 : i32
    %dma_start3A_18 = tpu.memref_slice %arg2[%mul3A_17] : memref<4194304xf32, #tpu.memory_space<hbm>> -> memref<8192xf32, #tpu.memory_space<hbm>>
    %dma_start3A_19 = tpu.memref_slice %arg2[%mul3A_17] : memref<4194304xf32, #tpu.memory_space<hbm>> -> memref<8192xf32, #tpu.memory_space<hbm>>
    tpu.enqueue_dma source(%dma_start3A_19 : memref<8192xf32, #tpu.memory_space<hbm>>) target(%arg9 : memref<8192xf32, #tpu.memory_space<vmem>>) target_semaphore(%arg15 : memref<!tpu.dma_semaphore, #tpu.memory_space<semaphore_mem>>)
    %mul3A_20 = arith.constant 4 : i32
    %mul3A_21 = arith.muli %mul3A_20, %add3A_15 : i32
    %dma_start3A_22 = tpu.memref_slice %arg4[%mul3A_21] : memref<4194304xf32, #tpu.memory_space<hbm>> -> memref<8192xf32, #tpu.memory_space<hbm>>
    %dma_start3A_23 = tpu.memref_slice %arg4[%mul3A_21] : memref<4194304xf32, #tpu.memory_space<hbm>> -> memref<8192xf32, #tpu.memory_space<hbm>>
    tpu.enqueue_dma source(%dma_start3A_23 : memref<8192xf32, #tpu.memory_space<hbm>>) target(%arg10 : memref<8192xf32, #tpu.memory_space<vmem>>) target_semaphore(%arg15 : memref<!tpu.dma_semaphore, #tpu.memory_space<semaphore_mem>>)
    %dma_start3A_24 = tpu.memref_slice %arg3[%add3A_15] : memref<1048576xi32, #tpu.memory_space<hbm>> -> memref<2048xi32, #tpu.memory_space<hbm>>
    %dma_start3A_25 = tpu.memref_slice %arg3[%add3A_15] : memref<1048576xi32, #tpu.memory_space<hbm>> -> memref<2048xi32, #tpu.memory_space<hbm>>
    tpu.enqueue_dma source(%dma_start3A_25 : memref<2048xi32, #tpu.memory_space<hbm>>) target(%arg11 : memref<2048xi32, #tpu.memory_space<vmem>>) target_semaphore(%arg15 : memref<!tpu.dma_semaphore, #tpu.memory_space<semaphore_mem>>)
    %broadcast_in_dim3A = arith.constant 0.000000e+00 : f32
    %broadcast_in_dim3A_26 = vector.broadcast %broadcast_in_dim3A : f32 to vector<16xf32>
    %broadcast_in_dim3A_27 = arith.constant 0.000000e+00 : f32
    %broadcast_in_dim3A_28 = vector.broadcast %broadcast_in_dim3A_27 : f32 to vector<16xf32>
    %scan3A = arith.constant 0 : i32
    %scan3A_29 = arith.constant 3 : i32
    %scan3A_30 = arith.addi %scan3A, %scan3A_29 : i32
    %scan3A_31 = arith.constant 1 : i32
    %scan3A_32:2 = scf.for %scan3A_47 = %scan3A to %scan3A_30 step %scan3A_31 iter_args(%scan3A_48 = %broadcast_in_dim3A_26, %scan3A_49 = %broadcast_in_dim3A_28) -> (vector<16xf32>, vector<16xf32>)  : i32 {
      %mul3A_50 = arith.constant 2 : i32
      %mul3A_51 = arith.muli %mul3A_50, %scan3A_47 : i32
      %add3A_52 = arith.constant 0 : i32
      %add3A_53 = arith.addi %mul3A_51, %add3A_52 : i32
      %mul3A_54 = arith.constant 2048 : i32
      %mul3A_55 = arith.muli %add3A_53, %mul3A_54 : i32
      %add3A_56 = arith.addi %mul3A_2, %mul3A_55 : i32
      %mul3A_57 = arith.constant 4 : i32
      %mul3A_58 = arith.muli %mul3A_57, %add3A_56 : i32
      %dma_wait3A = tpu.memref_slice %arg2[%mul3A_58] : memref<4194304xf32, #tpu.memory_space<hbm>> -> memref<8192xf32, #tpu.memory_space<hbm>>
      %dma_wait3A_59 = tpu.memref_slice %arg2[%mul3A_58] : memref<4194304xf32, #tpu.memory_space<hbm>> -> memref<8192xf32, #tpu.memory_space<hbm>>
      tpu.wait_dma2 semaphore(%arg14 : memref<!tpu.dma_semaphore, #tpu.memory_space<semaphore_mem>>) src(%dma_wait3A_59 : memref<8192xf32, #tpu.memory_space<hbm>>) dst(%arg6 : memref<8192xf32, #tpu.memory_space<vmem>>)
      %mul3A_60 = arith.constant 4 : i32
      %mul3A_61 = arith.muli %mul3A_60, %add3A_56 : i32
      %dma_wait3A_62 = tpu.memref_slice %arg4[%mul3A_61] : memref<4194304xf32, #tpu.memory_space<hbm>> -> memref<8192xf32, #tpu.memory_space<hbm>>
      %dma_wait3A_63 = tpu.memref_slice %arg4[%mul3A_61] : memref<4194304xf32, #tpu.memory_space<hbm>> -> memref<8192xf32, #tpu.memory_space<hbm>>
      tpu.wait_dma2 semaphore(%arg14 : memref<!tpu.dma_semaphore, #tpu.memory_space<semaphore_mem>>) src(%dma_wait3A_63 : memref<8192xf32, #tpu.memory_space<hbm>>) dst(%arg7 : memref<8192xf32, #tpu.memory_space<vmem>>)
      %dma_wait3A_64 = tpu.memref_slice %arg3[%add3A_56] : memref<1048576xi32, #tpu.memory_space<hbm>> -> memref<2048xi32, #tpu.memory_space<hbm>>
      %dma_wait3A_65 = tpu.memref_slice %arg3[%add3A_56] : memref<1048576xi32, #tpu.memory_space<hbm>> -> memref<2048xi32, #tpu.memory_space<hbm>>
      tpu.wait_dma2 semaphore(%arg14 : memref<!tpu.dma_semaphore, #tpu.memory_space<semaphore_mem>>) src(%dma_wait3A_65 : memref<2048xi32, #tpu.memory_space<hbm>>) dst(%arg8 : memref<2048xi32, #tpu.memory_space<vmem>>)
      %scan3A_66 = arith.constant 0 : i32
      %scan3A_67 = arith.constant 128 : i32
      %scan3A_68 = arith.addi %scan3A_66, %scan3A_67 : i32
      %scan3A_69 = arith.constant 1 : i32
      %scan3A_70:2 = scf.for %scan3A_106 = %scan3A_66 to %scan3A_68 step %scan3A_69 iter_args(%scan3A_107 = %scan3A_48, %scan3A_108 = %scan3A_49) -> (vector<16xf32>, vector<16xf32>)  : i32 {
        %mul3A_109 = arith.constant 16 : i32
        %mul3A_110 = arith.muli %scan3A_106, %mul3A_109 : i32
        %get3A = arith.index_cast %mul3A_110 : i32 to index
        %get3A_111 = tpu.vector_load %arg8[%get3A] {strides = array<i32>} : memref<2048xi32, #tpu.memory_space<vmem>>, vector<16xi32>,
        %get3A_112 = vector.shape_cast %get3A_111 : vector<16xi32> to vector<16xi32>
        %eq3A = arith.constant 1 : i32
        %eq3A_113 = vector.broadcast %eq3A : i32 to vector<16xi32>
        %eq3A_114 = arith.cmpi eq, %get3A_112, %eq3A_113 : vector<16xi32>
        %jit3A = arith.constant 1.000000e+00 : f32
        %jit3A_115 = arith.constant 0.000000e+00 : f32
        %broadcast_in_dim3A_116 = vector.broadcast %jit3A : f32 to vector<16xf32>
        %broadcast_in_dim3A_117 = vector.broadcast %jit3A_115 : f32 to vector<16xf32>
        %select_n3A = arith.select %eq3A_114, %broadcast_in_dim3A_116, %broadcast_in_dim3A_117 : vector<16xi1>, vector<16xf32>
        %add3A_118 = arith.addf %scan3A_108, %select_n3A : vector<16xf32>
        %mul3A_119 = arith.constant 16 : i32
        %mul3A_120 = arith.muli %scan3A_106, %mul3A_119 : i32
        %shift_right_logical3A_121 = arith.constant 3 : i32
        %shift_right_logical3A_122 = arith.shrui %scan3A_106, %shift_right_logical3A_121 : i32
        %mul3A_123 = arith.constant 384 : i32
        %mul3A_124 = arith.muli %shift_right_logical3A_122, %mul3A_123 : i32
        %add3A_125 = arith.addi %mul3A_120, %mul3A_124 : i32
        %get3A_126 = arith.index_cast %add3A_125 : i32 to index
        %get3A_127 = tpu.vector_load %arg6[%get3A_126] {strides = array<i32>} : memref<8192xf32, #tpu.memory_space<vmem>>, vector<16xf32>,
        %get3A_128 = vector.shape_cast %get3A_127 : vector<16xf32> to vector<16xf32>
        %get3A_129 = arith.index_cast %add3A_125 : i32 to index
        %get3A_130 = tpu.vector_load %arg7[%get3A_129] {strides = array<i32>} : memref<8192xf32, #tpu.memory_space<vmem>>, vector<16xf32>,
        %get3A_131 = vector.shape_cast %get3A_130 : vector<16xf32> to vector<16xf32>
        %sub3A = arith.subf %get3A_128, %get3A_131 : vector<16xf32>
        %abs3A = math.absf %sub3A : vector<16xf32>
        %min3A = arith.constant 1.000000e+00 : f32
        %min3A_132 = vector.broadcast %min3A : f32 to vector<16xf32>
        %min3A_133 = arith.minimumf %abs3A, %min3A_132 : vector<16xf32>
        %mul3A_134 = arith.constant 5.000000e-01 : f32
        %mul3A_135 = vector.broadcast %mul3A_134 : f32 to vector<16xf32>
        %mul3A_136 = arith.mulf %mul3A_135, %min3A_133 : vector<16xf32>
        %mul3A_137 = arith.mulf %mul3A_136, %min3A_133 : vector<16xf32>
        %sub3A_138 = arith.subf %abs3A, %min3A_133 : vector<16xf32>
        %add3A_139 = arith.addf %mul3A_137, %sub3A_138 : vector<16xf32>
        %add3A_140 = arith.constant 128 : i32
        %add3A_141 = arith.addi %add3A_125, %add3A_140 : i32
        %get3A_142 = arith.index_cast %add3A_141 : i32 to index
        %get3A_143 = tpu.vector_load %arg6[%get3A_142] {strides = array<i32>} : memref<8192xf32, #tpu.memory_space<vmem>>, vector<16xf32>,
        %get3A_144 = vector.shape_cast %get3A_143 : vector<16xf32> to vector<16xf32>
        %add3A_145 = arith.constant 128 : i32
        %add3A_146 = arith.addi %add3A_125, %add3A_145 : i32
        %get3A_147 = arith.index_cast %add3A_146 : i32 to index
        %get3A_148 = tpu.vector_load %arg7[%get3A_147] {strides = array<i32>} : memref<8192xf32, #tpu.memory_space<vmem>>, vector<16xf32>,
        %get3A_149 = vector.shape_cast %get3A_148 : vector<16xf32> to vector<16xf32>
        %sub3A_150 = arith.subf %get3A_144, %get3A_149 : vector<16xf32>
        %abs3A_151 = math.absf %sub3A_150 : vector<16xf32>
        %min3A_152 = arith.constant 1.000000e+00 : f32
        %min3A_153 = vector.broadcast %min3A_152 : f32 to vector<16xf32>
        %min3A_154 = arith.minimumf %abs3A_151, %min3A_153 : vector<16xf32>
        %mul3A_155 = arith.constant 5.000000e-01 : f32
        %mul3A_156 = vector.broadcast %mul3A_155 : f32 to vector<16xf32>
        %mul3A_157 = arith.mulf %mul3A_156, %min3A_154 : vector<16xf32>
        %mul3A_158 = arith.mulf %mul3A_157, %min3A_154 : vector<16xf32>
        %sub3A_159 = arith.subf %abs3A_151, %min3A_154 : vector<16xf32>
        %add3A_160 = arith.addf %mul3A_158, %sub3A_159 : vector<16xf32>
        %add3A_161 = arith.addf %add3A_139, %add3A_160 : vector<16xf32>
        %add3A_162 = arith.constant 256 : i32
        %add3A_163 = arith.addi %add3A_125, %add3A_162 : i32
        %get3A_164 = arith.index_cast %add3A_163 : i32 to index
        %get3A_165 = tpu.vector_load %arg6[%get3A_164] {strides = array<i32>} : memref<8192xf32, #tpu.memory_space<vmem>>, vector<16xf32>,
        %get3A_166 = vector.shape_cast %get3A_165 : vector<16xf32> to vector<16xf32>
        %add3A_167 = arith.constant 256 : i32
        %add3A_168 = arith.addi %add3A_125, %add3A_167 : i32
        %get3A_169 = arith.index_cast %add3A_168 : i32 to index
        %get3A_170 = tpu.vector_load %arg7[%get3A_169] {strides = array<i32>} : memref<8192xf32, #tpu.memory_space<vmem>>, vector<16xf32>,
        %get3A_171 = vector.shape_cast %get3A_170 : vector<16xf32> to vector<16xf32>
        %sub3A_172 = arith.subf %get3A_166, %get3A_171 : vector<16xf32>
        %abs3A_173 = math.absf %sub3A_172 : vector<16xf32>
        %min3A_174 = arith.constant 1.000000e+00 : f32
        %min3A_175 = vector.broadcast %min3A_174 : f32 to vector<16xf32>
        %min3A_176 = arith.minimumf %abs3A_173, %min3A_175 : vector<16xf32>
        %mul3A_177 = arith.constant 5.000000e-01 : f32
        %mul3A_178 = vector.broadcast %mul3A_177 : f32 to vector<16xf32>
        %mul3A_179 = arith.mulf %mul3A_178, %min3A_176 : vector<16xf32>
        %mul3A_180 = arith.mulf %mul3A_179, %min3A_176 : vector<16xf32>
        %sub3A_181 = arith.subf %abs3A_173, %min3A_176 : vector<16xf32>
        %add3A_182 = arith.addf %mul3A_180, %sub3A_181 : vector<16xf32>
        %add3A_183 = arith.addf %add3A_161, %add3A_182 : vector<16xf32>
        %add3A_184 = arith.constant 384 : i32
        %add3A_185 = arith.addi %add3A_125, %add3A_184 : i32
        %get3A_186 = arith.index_cast %add3A_185 : i32 to index
        %get3A_187 = tpu.vector_load %arg6[%get3A_186] {strides = array<i32>} : memref<8192xf32, #tpu.memory_space<vmem>>, vector<16xf32>,
        %get3A_188 = vector.shape_cast %get3A_187 : vector<16xf32> to vector<16xf32>
        %add3A_189 = arith.constant 384 : i32
        %add3A_190 = arith.addi %add3A_125, %add3A_189 : i32
        %get3A_191 = arith.index_cast %add3A_190 : i32 to index
        %get3A_192 = tpu.vector_load %arg7[%get3A_191] {strides = array<i32>} : memref<8192xf32, #tpu.memory_space<vmem>>, vector<16xf32>,
        %get3A_193 = vector.shape_cast %get3A_192 : vector<16xf32> to vector<16xf32>
        %sub3A_194 = arith.subf %get3A_188, %get3A_193 : vector<16xf32>
        %abs3A_195 = math.absf %sub3A_194 : vector<16xf32>
        %min3A_196 = arith.constant 1.000000e+00 : f32
        %min3A_197 = vector.broadcast %min3A_196 : f32 to vector<16xf32>
        %min3A_198 = arith.minimumf %abs3A_195, %min3A_197 : vector<16xf32>
        %mul3A_199 = arith.constant 5.000000e-01 : f32
        %mul3A_200 = vector.broadcast %mul3A_199 : f32 to vector<16xf32>
        %mul3A_201 = arith.mulf %mul3A_200, %min3A_198 : vector<16xf32>
        %mul3A_202 = arith.mulf %mul3A_201, %min3A_198 : vector<16xf32>
        %sub3A_203 = arith.subf %abs3A_195, %min3A_198 : vector<16xf32>
        %add3A_204 = arith.addf %mul3A_202, %sub3A_203 : vector<16xf32>
        %add3A_205 = arith.addf %add3A_183, %add3A_204 : vector<16xf32>
        %mul3A_206 = arith.mulf %select_n3A, %add3A_205 : vector<16xf32>
        %add3A_207 = arith.addf %scan3A_107, %mul3A_206 : vector<16xf32>
        scf.yield %add3A_207, %add3A_118 : vector<16xf32>, vector<16xf32>
      }
      %scan3A_71 = arith.constant 128 : i32
      %add3A_72 = arith.constant 2 : i32
      %add3A_73 = arith.addi %add3A_53, %add3A_72 : i32
      %lt3A = arith.constant 6 : i32
      %lt3A_74 = arith.cmpi slt, %add3A_73, %lt3A : i32
      %convert_element_type3A = arith.extui %lt3A_74 : i1 to i32
      %cond3A = arith.constant 0 : i32
      %cond3A_75 = arith.cmpi ne, %convert_element_type3A, %cond3A : i32
      scf.if %cond3A_75 {
        %add3A_106 = arith.constant 2 : i32
        %add3A_107 = arith.addi %add3A_53, %add3A_106 : i32
        %mul3A_108 = arith.constant 2048 : i32
        %mul3A_109 = arith.muli %add3A_107, %mul3A_108 : i32
        %add3A_110 = arith.addi %mul3A_2, %mul3A_109 : i32
        %mul3A_111 = arith.constant 4 : i32
        %mul3A_112 = arith.muli %mul3A_111, %add3A_110 : i32
        %dma_start3A_113 = tpu.memref_slice %arg2[%mul3A_112] : memref<4194304xf32, #tpu.memory_space<hbm>> -> memref<8192xf32, #tpu.memory_space<hbm>>
        %dma_start3A_114 = tpu.memref_slice %arg2[%mul3A_112] : memref<4194304xf32, #tpu.memory_space<hbm>> -> memref<8192xf32, #tpu.memory_space<hbm>>
        tpu.enqueue_dma source(%dma_start3A_114 : memref<8192xf32, #tpu.memory_space<hbm>>) target(%arg6 : memref<8192xf32, #tpu.memory_space<vmem>>) target_semaphore(%arg14 : memref<!tpu.dma_semaphore, #tpu.memory_space<semaphore_mem>>)
        %mul3A_115 = arith.constant 4 : i32
        %mul3A_116 = arith.muli %mul3A_115, %add3A_110 : i32
        %dma_start3A_117 = tpu.memref_slice %arg4[%mul3A_116] : memref<4194304xf32, #tpu.memory_space<hbm>> -> memref<8192xf32, #tpu.memory_space<hbm>>
        %dma_start3A_118 = tpu.memref_slice %arg4[%mul3A_116] : memref<4194304xf32, #tpu.memory_space<hbm>> -> memref<8192xf32, #tpu.memory_space<hbm>>
        tpu.enqueue_dma source(%dma_start3A_118 : memref<8192xf32, #tpu.memory_space<hbm>>) target(%arg7 : memref<8192xf32, #tpu.memory_space<vmem>>) target_semaphore(%arg14 : memref<!tpu.dma_semaphore, #tpu.memory_space<semaphore_mem>>)
        %dma_start3A_119 = tpu.memref_slice %arg3[%add3A_110] : memref<1048576xi32, #tpu.memory_space<hbm>> -> memref<2048xi32, #tpu.memory_space<hbm>>
        %dma_start3A_120 = tpu.memref_slice %arg3[%add3A_110] : memref<1048576xi32, #tpu.memory_space<hbm>> -> memref<2048xi32, #tpu.memory_space<hbm>>
        tpu.enqueue_dma source(%dma_start3A_120 : memref<2048xi32, #tpu.memory_space<hbm>>) target(%arg8 : memref<2048xi32, #tpu.memory_space<vmem>>) target_semaphore(%arg14 : memref<!tpu.dma_semaphore, #tpu.memory_space<semaphore_mem>>)
      } else {
      }
      %mul3A_76 = arith.constant 2 : i32
      %mul3A_77 = arith.muli %mul3A_76, %scan3A_47 : i32
      %add3A_78 = arith.constant 1 : i32
      %add3A_79 = arith.addi %mul3A_77, %add3A_78 : i32
      %mul3A_80 = arith.constant 2048 : i32
      %mul3A_81 = arith.muli %add3A_79, %mul3A_80 : i32
      %add3A_82 = arith.addi %mul3A_2, %mul3A_81 : i32
      %mul3A_83 = arith.constant 4 : i32
      %mul3A_84 = arith.muli %mul3A_83, %add3A_82 : i32
      %dma_wait3A_85 = tpu.memref_slice %arg2[%mul3A_84] : memref<4194304xf32, #tpu.memory_space<hbm>> -> memref<8192xf32, #tpu.memory_space<hbm>>
      %dma_wait3A_86 = tpu.memref_slice %arg2[%mul3A_84] : memref<4194304xf32, #tpu.memory_space<hbm>> -> memref<8192xf32, #tpu.memory_space<hbm>>
      tpu.wait_dma2 semaphore(%arg15 : memref<!tpu.dma_semaphore, #tpu.memory_space<semaphore_mem>>) src(%dma_wait3A_86 : memref<8192xf32, #tpu.memory_space<hbm>>) dst(%arg9 : memref<8192xf32, #tpu.memory_space<vmem>>)
      %mul3A_87 = arith.constant 4 : i32
      %mul3A_88 = arith.muli %mul3A_87, %add3A_82 : i32
      %dma_wait3A_89 = tpu.memref_slice %arg4[%mul3A_88] : memref<4194304xf32, #tpu.memory_space<hbm>> -> memref<8192xf32, #tpu.memory_space<hbm>>
      %dma_wait3A_90 = tpu.memref_slice %arg4[%mul3A_88] : memref<4194304xf32, #tpu.memory_space<hbm>> -> memref<8192xf32, #tpu.memory_space<hbm>>
      tpu.wait_dma2 semaphore(%arg15 : memref<!tpu.dma_semaphore, #tpu.memory_space<semaphore_mem>>) src(%dma_wait3A_90 : memref<8192xf32, #tpu.memory_space<hbm>>) dst(%arg10 : memref<8192xf32, #tpu.memory_space<vmem>>)
      %dma_wait3A_91 = tpu.memref_slice %arg3[%add3A_82] : memref<1048576xi32, #tpu.memory_space<hbm>> -> memref<2048xi32, #tpu.memory_space<hbm>>
      %dma_wait3A_92 = tpu.memref_slice %arg3[%add3A_82] : memref<1048576xi32, #tpu.memory_space<hbm>> -> memref<2048xi32, #tpu.memory_space<hbm>>
      tpu.wait_dma2 semaphore(%arg15 : memref<!tpu.dma_semaphore, #tpu.memory_space<semaphore_mem>>) src(%dma_wait3A_92 : memref<2048xi32, #tpu.memory_space<hbm>>) dst(%arg11 : memref<2048xi32, #tpu.memory_space<vmem>>)
      %scan3A_93 = arith.constant 0 : i32
      %scan3A_94 = arith.constant 128 : i32
      %scan3A_95 = arith.addi %scan3A_93, %scan3A_94 : i32
      %scan3A_96 = arith.constant 1 : i32
      %scan3A_97:2 = scf.for %scan3A_106 = %scan3A_93 to %scan3A_95 step %scan3A_96 iter_args(%scan3A_107 = %scan3A_70#0, %scan3A_108 = %scan3A_70#1) -> (vector<16xf32>, vector<16xf32>)  : i32 {
        %mul3A_109 = arith.constant 16 : i32
        %mul3A_110 = arith.muli %scan3A_106, %mul3A_109 : i32
        %get3A = arith.index_cast %mul3A_110 : i32 to index
        %get3A_111 = tpu.vector_load %arg11[%get3A] {strides = array<i32>} : memref<2048xi32, #tpu.memory_space<vmem>>, vector<16xi32>,
        %get3A_112 = vector.shape_cast %get3A_111 : vector<16xi32> to vector<16xi32>
        %eq3A = arith.constant 1 : i32
        %eq3A_113 = vector.broadcast %eq3A : i32 to vector<16xi32>
        %eq3A_114 = arith.cmpi eq, %get3A_112, %eq3A_113 : vector<16xi32>
        %jit3A = arith.constant 1.000000e+00 : f32
        %jit3A_115 = arith.constant 0.000000e+00 : f32
        %broadcast_in_dim3A_116 = vector.broadcast %jit3A : f32 to vector<16xf32>
        %broadcast_in_dim3A_117 = vector.broadcast %jit3A_115 : f32 to vector<16xf32>
        %select_n3A = arith.select %eq3A_114, %broadcast_in_dim3A_116, %broadcast_in_dim3A_117 : vector<16xi1>, vector<16xf32>
        %add3A_118 = arith.addf %scan3A_108, %select_n3A : vector<16xf32>
        %mul3A_119 = arith.constant 16 : i32
        %mul3A_120 = arith.muli %scan3A_106, %mul3A_119 : i32
        %shift_right_logical3A_121 = arith.constant 3 : i32
        %shift_right_logical3A_122 = arith.shrui %scan3A_106, %shift_right_logical3A_121 : i32
        %mul3A_123 = arith.constant 384 : i32
        %mul3A_124 = arith.muli %shift_right_logical3A_122, %mul3A_123 : i32
        %add3A_125 = arith.addi %mul3A_120, %mul3A_124 : i32
        %get3A_126 = arith.index_cast %add3A_125 : i32 to index
        %get3A_127 = tpu.vector_load %arg9[%get3A_126] {strides = array<i32>} : memref<8192xf32, #tpu.memory_space<vmem>>, vector<16xf32>,
        %get3A_128 = vector.shape_cast %get3A_127 : vector<16xf32> to vector<16xf32>
        %get3A_129 = arith.index_cast %add3A_125 : i32 to index
        %get3A_130 = tpu.vector_load %arg10[%get3A_129] {strides = array<i32>} : memref<8192xf32, #tpu.memory_space<vmem>>, vector<16xf32>,
        %get3A_131 = vector.shape_cast %get3A_130 : vector<16xf32> to vector<16xf32>
        %sub3A = arith.subf %get3A_128, %get3A_131 : vector<16xf32>
        %abs3A = math.absf %sub3A : vector<16xf32>
        %min3A = arith.constant 1.000000e+00 : f32
        %min3A_132 = vector.broadcast %min3A : f32 to vector<16xf32>
        %min3A_133 = arith.minimumf %abs3A, %min3A_132 : vector<16xf32>
        %mul3A_134 = arith.constant 5.000000e-01 : f32
        %mul3A_135 = vector.broadcast %mul3A_134 : f32 to vector<16xf32>
        %mul3A_136 = arith.mulf %mul3A_135, %min3A_133 : vector<16xf32>
        %mul3A_137 = arith.mulf %mul3A_136, %min3A_133 : vector<16xf32>
        %sub3A_138 = arith.subf %abs3A, %min3A_133 : vector<16xf32>
        %add3A_139 = arith.addf %mul3A_137, %sub3A_138 : vector<16xf32>
        %add3A_140 = arith.constant 128 : i32
        %add3A_141 = arith.addi %add3A_125, %add3A_140 : i32
        %get3A_142 = arith.index_cast %add3A_141 : i32 to index
        %get3A_143 = tpu.vector_load %arg9[%get3A_142] {strides = array<i32>} : memref<8192xf32, #tpu.memory_space<vmem>>, vector<16xf32>,
        %get3A_144 = vector.shape_cast %get3A_143 : vector<16xf32> to vector<16xf32>
        %add3A_145 = arith.constant 128 : i32
        %add3A_146 = arith.addi %add3A_125, %add3A_145 : i32
        %get3A_147 = arith.index_cast %add3A_146 : i32 to index
        %get3A_148 = tpu.vector_load %arg10[%get3A_147] {strides = array<i32>} : memref<8192xf32, #tpu.memory_space<vmem>>, vector<16xf32>,
        %get3A_149 = vector.shape_cast %get3A_148 : vector<16xf32> to vector<16xf32>
        %sub3A_150 = arith.subf %get3A_144, %get3A_149 : vector<16xf32>
        %abs3A_151 = math.absf %sub3A_150 : vector<16xf32>
        %min3A_152 = arith.constant 1.000000e+00 : f32
        %min3A_153 = vector.broadcast %min3A_152 : f32 to vector<16xf32>
        %min3A_154 = arith.minimumf %abs3A_151, %min3A_153 : vector<16xf32>
        %mul3A_155 = arith.constant 5.000000e-01 : f32
        %mul3A_156 = vector.broadcast %mul3A_155 : f32 to vector<16xf32>
        %mul3A_157 = arith.mulf %mul3A_156, %min3A_154 : vector<16xf32>
        %mul3A_158 = arith.mulf %mul3A_157, %min3A_154 : vector<16xf32>
        %sub3A_159 = arith.subf %abs3A_151, %min3A_154 : vector<16xf32>
        %add3A_160 = arith.addf %mul3A_158, %sub3A_159 : vector<16xf32>
        %add3A_161 = arith.addf %add3A_139, %add3A_160 : vector<16xf32>
        %add3A_162 = arith.constant 256 : i32
        %add3A_163 = arith.addi %add3A_125, %add3A_162 : i32
        %get3A_164 = arith.index_cast %add3A_163 : i32 to index
        %get3A_165 = tpu.vector_load %arg9[%get3A_164] {strides = array<i32>} : memref<8192xf32, #tpu.memory_space<vmem>>, vector<16xf32>,
        %get3A_166 = vector.shape_cast %get3A_165 : vector<16xf32> to vector<16xf32>
        %add3A_167 = arith.constant 256 : i32
        %add3A_168 = arith.addi %add3A_125, %add3A_167 : i32
        %get3A_169 = arith.index_cast %add3A_168 : i32 to index
        %get3A_170 = tpu.vector_load %arg10[%get3A_169] {strides = array<i32>} : memref<8192xf32, #tpu.memory_space<vmem>>, vector<16xf32>,
        %get3A_171 = vector.shape_cast %get3A_170 : vector<16xf32> to vector<16xf32>
        %sub3A_172 = arith.subf %get3A_166, %get3A_171 : vector<16xf32>
        %abs3A_173 = math.absf %sub3A_172 : vector<16xf32>
        %min3A_174 = arith.constant 1.000000e+00 : f32
        %min3A_175 = vector.broadcast %min3A_174 : f32 to vector<16xf32>
        %min3A_176 = arith.minimumf %abs3A_173, %min3A_175 : vector<16xf32>
        %mul3A_177 = arith.constant 5.000000e-01 : f32
        %mul3A_178 = vector.broadcast %mul3A_177 : f32 to vector<16xf32>
        %mul3A_179 = arith.mulf %mul3A_178, %min3A_176 : vector<16xf32>
        %mul3A_180 = arith.mulf %mul3A_179, %min3A_176 : vector<16xf32>
        %sub3A_181 = arith.subf %abs3A_173, %min3A_176 : vector<16xf32>
        %add3A_182 = arith.addf %mul3A_180, %sub3A_181 : vector<16xf32>
        %add3A_183 = arith.addf %add3A_161, %add3A_182 : vector<16xf32>
        %add3A_184 = arith.constant 384 : i32
        %add3A_185 = arith.addi %add3A_125, %add3A_184 : i32
        %get3A_186 = arith.index_cast %add3A_185 : i32 to index
        %get3A_187 = tpu.vector_load %arg9[%get3A_186] {strides = array<i32>} : memref<8192xf32, #tpu.memory_space<vmem>>, vector<16xf32>,
        %get3A_188 = vector.shape_cast %get3A_187 : vector<16xf32> to vector<16xf32>
        %add3A_189 = arith.constant 384 : i32
        %add3A_190 = arith.addi %add3A_125, %add3A_189 : i32
        %get3A_191 = arith.index_cast %add3A_190 : i32 to index
        %get3A_192 = tpu.vector_load %arg10[%get3A_191] {strides = array<i32>} : memref<8192xf32, #tpu.memory_space<vmem>>, vector<16xf32>,
        %get3A_193 = vector.shape_cast %get3A_192 : vector<16xf32> to vector<16xf32>
        %sub3A_194 = arith.subf %get3A_188, %get3A_193 : vector<16xf32>
        %abs3A_195 = math.absf %sub3A_194 : vector<16xf32>
        %min3A_196 = arith.constant 1.000000e+00 : f32
        %min3A_197 = vector.broadcast %min3A_196 : f32 to vector<16xf32>
        %min3A_198 = arith.minimumf %abs3A_195, %min3A_197 : vector<16xf32>
        %mul3A_199 = arith.constant 5.000000e-01 : f32
        %mul3A_200 = vector.broadcast %mul3A_199 : f32 to vector<16xf32>
        %mul3A_201 = arith.mulf %mul3A_200, %min3A_198 : vector<16xf32>
        %mul3A_202 = arith.mulf %mul3A_201, %min3A_198 : vector<16xf32>
        %sub3A_203 = arith.subf %abs3A_195, %min3A_198 : vector<16xf32>
        %add3A_204 = arith.addf %mul3A_202, %sub3A_203 : vector<16xf32>
        %add3A_205 = arith.addf %add3A_183, %add3A_204 : vector<16xf32>
        %mul3A_206 = arith.mulf %select_n3A, %add3A_205 : vector<16xf32>
        %add3A_207 = arith.addf %scan3A_107, %mul3A_206 : vector<16xf32>
        scf.yield %add3A_207, %add3A_118 : vector<16xf32>, vector<16xf32>
      }
      %scan3A_98 = arith.constant 128 : i32
      %add3A_99 = arith.constant 2 : i32
      %add3A_100 = arith.addi %add3A_79, %add3A_99 : i32
      %lt3A_101 = arith.constant 6 : i32
      %lt3A_102 = arith.cmpi slt, %add3A_100, %lt3A_101 : i32
      %convert_element_type3A_103 = arith.extui %lt3A_102 : i1 to i32
      %cond3A_104 = arith.constant 0 : i32
      %cond3A_105 = arith.cmpi ne, %convert_element_type3A_103, %cond3A_104 : i32
      scf.if %cond3A_105 {
        %add3A_106 = arith.constant 2 : i32
        %add3A_107 = arith.addi %add3A_79, %add3A_106 : i32
        %mul3A_108 = arith.constant 2048 : i32
        %mul3A_109 = arith.muli %add3A_107, %mul3A_108 : i32
        %add3A_110 = arith.addi %mul3A_2, %mul3A_109 : i32
        %mul3A_111 = arith.constant 4 : i32
        %mul3A_112 = arith.muli %mul3A_111, %add3A_110 : i32
        %dma_start3A_113 = tpu.memref_slice %arg2[%mul3A_112] : memref<4194304xf32, #tpu.memory_space<hbm>> -> memref<8192xf32, #tpu.memory_space<hbm>>
        %dma_start3A_114 = tpu.memref_slice %arg2[%mul3A_112] : memref<4194304xf32, #tpu.memory_space<hbm>> -> memref<8192xf32, #tpu.memory_space<hbm>>
        tpu.enqueue_dma source(%dma_start3A_114 : memref<8192xf32, #tpu.memory_space<hbm>>) target(%arg9 : memref<8192xf32, #tpu.memory_space<vmem>>) target_semaphore(%arg15 : memref<!tpu.dma_semaphore, #tpu.memory_space<semaphore_mem>>)
        %mul3A_115 = arith.constant 4 : i32
        %mul3A_116 = arith.muli %mul3A_115, %add3A_110 : i32
        %dma_start3A_117 = tpu.memref_slice %arg4[%mul3A_116] : memref<4194304xf32, #tpu.memory_space<hbm>> -> memref<8192xf32, #tpu.memory_space<hbm>>
        %dma_start3A_118 = tpu.memref_slice %arg4[%mul3A_116] : memref<4194304xf32, #tpu.memory_space<hbm>> -> memref<8192xf32, #tpu.memory_space<hbm>>
        tpu.enqueue_dma source(%dma_start3A_118 : memref<8192xf32, #tpu.memory_space<hbm>>) target(%arg10 : memref<8192xf32, #tpu.memory_space<vmem>>) target_semaphore(%arg15 : memref<!tpu.dma_semaphore, #tpu.memory_space<semaphore_mem>>)
        %dma_start3A_119 = tpu.memref_slice %arg3[%add3A_110] : memref<1048576xi32, #tpu.memory_space<hbm>> -> memref<2048xi32, #tpu.memory_space<hbm>>
        %dma_start3A_120 = tpu.memref_slice %arg3[%add3A_110] : memref<1048576xi32, #tpu.memory_space<hbm>> -> memref<2048xi32, #tpu.memory_space<hbm>>
        tpu.enqueue_dma source(%dma_start3A_120 : memref<2048xi32, #tpu.memory_space<hbm>>) target(%arg11 : memref<2048xi32, #tpu.memory_space<vmem>>) target_semaphore(%arg15 : memref<!tpu.dma_semaphore, #tpu.memory_space<semaphore_mem>>)
      } else {
      }
      scf.yield %scan3A_97#0, %scan3A_97#1 : vector<16xf32>, vector<16xf32>
    }
    %scan3A_33 = arith.constant 3 : i32
    %swap3A = arith.constant 0 : index
    %swap3A_34 = tpu.vector_load %arg12[%swap3A] {strides = array<i32>} : memref<16xf32, #tpu.memory_space<vmem>>, vector<16xf32>,
    %swap3A_35 = vector.shape_cast %swap3A_34 : vector<16xf32> to vector<16xf32>
    %swap3A_36 = vector.shape_cast %scan3A_32#0 : vector<16xf32> to vector<16xf32>
    tpu.vector_store %arg12[%swap3A], %swap3A_36 {strides = array<i32>} : memref<16xf32, #tpu.memory_space<vmem>>, vector<16xf32>,
    %swap3A_37 = arith.constant 0 : index
    %swap3A_38 = tpu.vector_load %arg13[%swap3A_37] {strides = array<i32>} : memref<16xf32, #tpu.memory_space<vmem>>, vector<16xf32>,
    %swap3A_39 = vector.shape_cast %swap3A_38 : vector<16xf32> to vector<16xf32>
    %swap3A_40 = vector.shape_cast %scan3A_32#1 : vector<16xf32> to vector<16xf32>
    tpu.vector_store %arg13[%swap3A_37], %swap3A_40 {strides = array<i32>} : memref<16xf32, #tpu.memory_space<vmem>>, vector<16xf32>,
    %shift_right_logical3A = arith.constant 3 : i32
    %shift_right_logical3A_41 = arith.shrui %add3A, %shift_right_logical3A : i32
    %and3A = arith.constant 7 : i32
    %and3A_42 = arith.andi %add3A, %and3A : i32
    %mul3A_43 = arith.constant 16 : i32
    %mul3A_44 = arith.muli %and3A_42, %mul3A_43 : i32
    "tpu.region"() ({
      %run_scoped3A = tpu.sem_alloc : memref<!tpu.dma_semaphore, #tpu.memory_space<semaphore_mem>>
      %dma_start3A_47 = tpu.memref_slice %arg5[%shift_right_logical3A_41, %mul3A_44] : memref<8x128xf32, #tpu.memory_space<hbm>> -> memref<1x16xf32, #tpu.memory_space<hbm>>
      %dma_start3A_48 = tpu.memref_squeeze %dma_start3A_47 : memref<1x16xf32, #tpu.memory_space<hbm>> -> memref<16xf32, #tpu.memory_space<hbm>>
      %dma_start3A_49 = tpu.memref_slice %arg5[%shift_right_logical3A_41, %mul3A_44] : memref<8x128xf32, #tpu.memory_space<hbm>> -> memref<1x16xf32, #tpu.memory_space<hbm>>
      %dma_start3A_50 = tpu.memref_squeeze %dma_start3A_49 : memref<1x16xf32, #tpu.memory_space<hbm>> -> memref<16xf32, #tpu.memory_space<hbm>>
      tpu.enqueue_dma source(%arg12 : memref<16xf32, #tpu.memory_space<vmem>>) target(%dma_start3A_50 : memref<16xf32, #tpu.memory_space<hbm>>) target_semaphore(%run_scoped3A : memref<!tpu.dma_semaphore, #tpu.memory_space<semaphore_mem>>)
      %dma_wait3A = tpu.memref_slice %arg5[%shift_right_logical3A_41, %mul3A_44] : memref<8x128xf32, #tpu.memory_space<hbm>> -> memref<1x16xf32, #tpu.memory_space<hbm>>
      %dma_wait3A_51 = tpu.memref_squeeze %dma_wait3A : memref<1x16xf32, #tpu.memory_space<hbm>> -> memref<16xf32, #tpu.memory_space<hbm>>
      %dma_wait3A_52 = tpu.memref_slice %arg5[%shift_right_logical3A_41, %mul3A_44] : memref<8x128xf32, #tpu.memory_space<hbm>> -> memref<1x16xf32, #tpu.memory_space<hbm>>
      %dma_wait3A_53 = tpu.memref_squeeze %dma_wait3A_52 : memref<1x16xf32, #tpu.memory_space<hbm>> -> memref<16xf32, #tpu.memory_space<hbm>>
      tpu.wait_dma2 semaphore(%run_scoped3A : memref<!tpu.dma_semaphore, #tpu.memory_space<semaphore_mem>>) src(%arg12 : memref<16xf32, #tpu.memory_space<vmem>>) dst(%dma_wait3A_53 : memref<16xf32, #tpu.memory_space<hbm>>)
      tpu.yield
    }) : () -> ()
    %add3A_45 = arith.constant 4 : i32
    %add3A_46 = arith.addi %shift_right_logical3A_41, %add3A_45 : i32
    "tpu.region"() ({
      %run_scoped3A = tpu.sem_alloc : memref<!tpu.dma_semaphore, #tpu.memory_space<semaphore_mem>>
      %dma_start3A_47 = tpu.memref_slice %arg5[%add3A_46, %mul3A_44] : memref<8x128xf32, #tpu.memory_space<hbm>> -> memref<1x16xf32, #tpu.memory_space<hbm>>
      %dma_start3A_48 = tpu.memref_squeeze %dma_start3A_47 : memref<1x16xf32, #tpu.memory_space<hbm>> -> memref<16xf32, #tpu.memory_space<hbm>>
      %dma_start3A_49 = tpu.memref_slice %arg5[%add3A_46, %mul3A_44] : memref<8x128xf32, #tpu.memory_space<hbm>> -> memref<1x16xf32, #tpu.memory_space<hbm>>
      %dma_start3A_50 = tpu.memref_squeeze %dma_start3A_49 : memref<1x16xf32, #tpu.memory_space<hbm>> -> memref<16xf32, #tpu.memory_space<hbm>>
      tpu.enqueue_dma source(%arg13 : memref<16xf32, #tpu.memory_space<vmem>>) target(%dma_start3A_50 : memref<16xf32, #tpu.memory_space<hbm>>) target_semaphore(%run_scoped3A : memref<!tpu.dma_semaphore, #tpu.memory_space<semaphore_mem>>)
      %dma_wait3A = tpu.memref_slice %arg5[%add3A_46, %mul3A_44] : memref<8x128xf32, #tpu.memory_space<hbm>> -> memref<1x16xf32, #tpu.memory_space<hbm>>
      %dma_wait3A_51 = tpu.memref_squeeze %dma_wait3A : memref<1x16xf32, #tpu.memory_space<hbm>> -> memref<16xf32, #tpu.memory_space<hbm>>
      %dma_wait3A_52 = tpu.memref_slice %arg5[%add3A_46, %mul3A_44] : memref<8x128xf32, #tpu.memory_space<hbm>> -> memref<1x16xf32, #tpu.memory_space<hbm>>
      %dma_wait3A_53 = tpu.memref_squeeze %dma_wait3A_52 : memref<1x16xf32, #tpu.memory_space<hbm>> -> memref<16xf32, #tpu.memory_space<hbm>>
      tpu.wait_dma2 semaphore(%run_scoped3A : memref<!tpu.dma_semaphore, #tpu.memory_space<semaphore_mem>>) src(%arg13 : memref<16xf32, #tpu.memory_space<vmem>>) dst(%dma_wait3A_53 : memref<16xf32, #tpu.memory_space<hbm>>)
      tpu.yield
    }) : () -> ()
    return
  }
}

module attributes {stable_mosaic.version = 14 : i64} {
  func.func @_tc_body(%arg0: i32, %arg1: memref<4096x128xf32, #tpu.memory_space<vmem>>, %arg2: memref<1024x128xi32, #tpu.memory_space<vmem>>, %arg3: memref<4096x128xf32, #tpu.memory_space<vmem>>, %arg4: memref<8x128xf32, #tpu.memory_space<vmem>>, %arg5: memref<8x128xf32, #tpu.memory_space<vmem>>) attributes {dimension_semantics = [#tpu.dimension_semantics<arbitrary>], iteration_bounds = array<i64: 5>, scalar_prefetch = 0 : i64, scratch_operands = 0 : i64, tpu.core_type = #tpu.core_type<tc>, window_params = [{transform_indices = @transform_0, window_bounds = array<i64: 4096, 128>}, {transform_indices = @transform_1, window_bounds = array<i64: 1024, 128>}, {transform_indices = @transform_2, window_bounds = array<i64: 4096, 128>}, {pipeline_mode = #tpu.pipeline_mode<synchronous>, transform_indices = @transform_3, window_bounds = array<i64: 8, 128>}, {pipeline_mode = #tpu.pipeline_mode<synchronous>, transform_indices = @transform_4, window_bounds = array<i64: 8, 128>}]} {
    %eq3A = arith.constant 0 : i32
    %eq3A_0 = arith.cmpi eq, %arg0, %eq3A : i32
    %convert_element_type3A = arith.extui %eq3A_0 : i1 to i32
    %cond3A = arith.constant 0 : i32
    %cond3A_1 = arith.cmpi ne, %convert_element_type3A, %cond3A : i32
    scf.if %cond3A_1 {
      %broadcast_in_dim3A_41 = arith.constant 0.000000e+00 : f32
      %broadcast_in_dim3A_42 = vector.broadcast %broadcast_in_dim3A_41 : f32 to vector<8x128xf32>
      %swap3A_43 = arith.constant 0 : index
      %swap3A_44 = arith.constant 0 : index
      %swap3A_45 = vector.load %arg4[%swap3A_43, %swap3A_44] : memref<8x128xf32, #tpu.memory_space<vmem>>, vector<8x128xf32>
      tpu.vector_store %arg4[%swap3A_43, %swap3A_44], %broadcast_in_dim3A_42 {strides = array<i32>} : memref<8x128xf32, #tpu.memory_space<vmem>>, vector<8x128xf32>,
      %broadcast_in_dim3A_46 = arith.constant 0.000000e+00 : f32
      %broadcast_in_dim3A_47 = vector.broadcast %broadcast_in_dim3A_46 : f32 to vector<8x128xf32>
      %swap3A_48 = arith.constant 0 : index
      %swap3A_49 = arith.constant 0 : index
      %swap3A_50 = vector.load %arg5[%swap3A_48, %swap3A_49] : memref<8x128xf32, #tpu.memory_space<vmem>>, vector<8x128xf32>
      tpu.vector_store %arg5[%swap3A_48, %swap3A_49], %broadcast_in_dim3A_47 {strides = array<i32>} : memref<8x128xf32, #tpu.memory_space<vmem>>, vector<8x128xf32>,
    } else {
    }
    %get3A = arith.constant 0 : index
    %get3A_2 = arith.constant 0 : index
    %get3A_3 = vector.load %arg1[%get3A, %get3A_2] : memref<4096x128xf32, #tpu.memory_space<vmem>>, vector<4096x128xf32>
    %get3A_4 = arith.constant 0 : index
    %get3A_5 = arith.constant 0 : index
    %get3A_6 = vector.load %arg3[%get3A_4, %get3A_5] : memref<4096x128xf32, #tpu.memory_space<vmem>>, vector<4096x128xf32>
    %sub3A = arith.subf %get3A_3, %get3A_6 : vector<4096x128xf32>
    %abs3A = math.absf %sub3A : vector<4096x128xf32>
    %min3A = arith.constant 1.000000e+00 : f32
    %min3A_7 = vector.broadcast %min3A : f32 to vector<4096x128xf32>
    %min3A_8 = arith.minimumf %abs3A, %min3A_7 : vector<4096x128xf32>
    %mul3A = arith.constant 5.000000e-01 : f32
    %mul3A_9 = vector.broadcast %mul3A : f32 to vector<4096x128xf32>
    %mul3A_10 = arith.mulf %mul3A_9, %min3A_8 : vector<4096x128xf32>
    %mul3A_11 = arith.mulf %mul3A_10, %min3A_8 : vector<4096x128xf32>
    %sub3A_12 = arith.subf %abs3A, %min3A_8 : vector<4096x128xf32>
    %add3A = arith.addf %mul3A_11, %sub3A_12 : vector<4096x128xf32>
    %get3A_13 = arith.constant 0 : index
    %get3A_14 = arith.constant 0 : index
    %get3A_15 = vector.load %arg2[%get3A_13, %get3A_14] : memref<1024x128xi32, #tpu.memory_space<vmem>>, vector<1024x128xi32>
    %eq3A_16 = arith.constant 1 : i32
    %eq3A_17 = vector.broadcast %eq3A_16 : i32 to vector<1024x128xi32>
    %eq3A_18 = arith.cmpi eq, %get3A_15, %eq3A_17 : vector<1024x128xi32>
    %convert_element_type3A_19 = arith.extui %eq3A_18 : vector<1024x128xi1> to vector<1024x128xi32>
    %convert_element_type3A_20 = arith.sitofp %convert_element_type3A_19 : vector<1024x128xi32> to vector<1024x128xf32>
    %reshape3A = vector.shape_cast %add3A : vector<4096x128xf32> to vector<1024x4x128xf32>
    %broadcast_in_dim3A = vector.shape_cast %convert_element_type3A_20 : vector<1024x128xf32> to vector<1024x1x128xf32>
    %mul3A_21 = vector.broadcast %broadcast_in_dim3A : vector<1024x1x128xf32> to vector<1024x4x128xf32>
    %mul3A_22 = arith.mulf %reshape3A, %mul3A_21 : vector<1024x4x128xf32>
    %get3A_23 = arith.constant 0 : index
    %get3A_24 = arith.constant 0 : index
    %get3A_25 = vector.load %arg4[%get3A_23, %get3A_24] : memref<8x128xf32, #tpu.memory_space<vmem>>, vector<8x128xf32>
    %reshape3A_26 = vector.shape_cast %mul3A_22 : vector<1024x4x128xf32> to vector<512x8x128xf32>
    %reduce_sum3A = arith.constant dense<0.000000e+00> : vector<8x128xf32>
    %reduce_sum3A_27 = vector.multi_reduction <add>, %reshape3A_26, %reduce_sum3A [0] : vector<512x8x128xf32> to vector<8x128xf32>
    %add3A_28 = arith.addf %get3A_25, %reduce_sum3A_27 : vector<8x128xf32>
    %swap3A = arith.constant 0 : index
    %swap3A_29 = arith.constant 0 : index
    %swap3A_30 = vector.load %arg4[%swap3A, %swap3A_29] : memref<8x128xf32, #tpu.memory_space<vmem>>, vector<8x128xf32>
    tpu.vector_store %arg4[%swap3A, %swap3A_29], %add3A_28 {strides = array<i32>} : memref<8x128xf32, #tpu.memory_space<vmem>>, vector<8x128xf32>,
    %get3A_31 = arith.constant 0 : index
    %get3A_32 = arith.constant 0 : index
    %get3A_33 = vector.load %arg5[%get3A_31, %get3A_32] : memref<8x128xf32, #tpu.memory_space<vmem>>, vector<8x128xf32>
    %reshape3A_34 = vector.shape_cast %convert_element_type3A_20 : vector<1024x128xf32> to vector<128x8x128xf32>
    %reduce_sum3A_35 = arith.constant dense<0.000000e+00> : vector<8x128xf32>
    %reduce_sum3A_36 = vector.multi_reduction <add>, %reshape3A_34, %reduce_sum3A_35 [0] : vector<128x8x128xf32> to vector<8x128xf32>
    %add3A_37 = arith.addf %get3A_33, %reduce_sum3A_36 : vector<8x128xf32>
    %swap3A_38 = arith.constant 0 : index
    %swap3A_39 = arith.constant 0 : index
    %swap3A_40 = vector.load %arg5[%swap3A_38, %swap3A_39] : memref<8x128xf32, #tpu.memory_space<vmem>>, vector<8x128xf32>
    tpu.vector_store %arg5[%swap3A_38, %swap3A_39], %add3A_37 {strides = array<i32>} : memref<8x128xf32, #tpu.memory_space<vmem>>, vector<8x128xf32>,
    return
  }
  func.func @transform_0(%arg0: i32) -> (i32, i32) {
    %add3A = arith.constant 3 : i32
    %add3A_0 = arith.addi %add3A, %arg0 : i32
    %c0_i32 = arith.constant 0 : i32
    %c0_i32_1 = arith.constant 0 : i32
    return %add3A_0, %c0_i32 : i32, i32
  }
  func.func @transform_1(%arg0: i32) -> (i32, i32) {
    %add3A = arith.constant 3 : i32
    %add3A_0 = arith.addi %add3A, %arg0 : i32
    %c0_i32 = arith.constant 0 : i32
    %c0_i32_1 = arith.constant 0 : i32
    return %add3A_0, %c0_i32 : i32, i32
  }
  func.func @transform_2(%arg0: i32) -> (i32, i32) {
    %add3A = arith.constant 3 : i32
    %add3A_0 = arith.addi %add3A, %arg0 : i32
    %c0_i32 = arith.constant 0 : i32
    %c0_i32_1 = arith.constant 0 : i32
    return %add3A_0, %c0_i32 : i32, i32
  }
  func.func @transform_3(%arg0: i32) -> (i32, i32) {
    %c0_i32 = arith.constant 0 : i32
    %c0_i32_0 = arith.constant 0 : i32
    %c0_i32_1 = arith.constant 0 : i32
    return %c0_i32, %c0_i32_0 : i32, i32
  }
  func.func @transform_4(%arg0: i32) -> (i32, i32) {
    %c0_i32 = arith.constant 0 : i32
    %c0_i32_0 = arith.constant 0 : i32
    %c0_i32_1 = arith.constant 0 : i32
    return %c0_i32, %c0_i32_0 : i32, i32
  }
}

module attributes {stable_mosaic.version = 14 : i64} {
  func.func @_combine_body(%arg0: memref<8x128xf32, #tpu.memory_space<vmem>>, %arg1: memref<8x128xf32, #tpu.memory_space<vmem>>, %arg2: memref<8x128xf32, #tpu.memory_space<vmem>>, %arg3: memref<1x1xf32, #tpu.memory_space<vmem>>) attributes {dimension_semantics = [], scalar_prefetch = 0 : i64, scratch_operands = 0 : i64, tpu.core_type = #tpu.core_type<tc>} {
    %get3A = arith.constant 0 : index
    %get3A_0 = arith.constant 0 : index
    %get3A_1 = vector.load %arg0[%get3A, %get3A_0] : memref<8x128xf32, #tpu.memory_space<vmem>>, vector<4x128xf32>
    %reduce_sum3A = vector.shape_cast %get3A_1 : vector<4x128xf32> to vector<1x4x128xf32>
    %reduce_sum3A_2 = arith.constant dense<0.000000e+00> : vector<1xf32>
    %reduce_sum3A_3 = vector.multi_reduction <add>, %reduce_sum3A, %reduce_sum3A_2 [1, 2] : vector<1x4x128xf32> to vector<1xf32>
    %reduce_sum3A_4 = vector.shape_cast %reduce_sum3A_3 : vector<1xf32> to vector<1x1x1xf32>
    %reduce_sum3A_5 = vector.extract %reduce_sum3A_4[0, 0, 0] : f32 from vector<1x1x1xf32>
    %get3A_6 = arith.constant 0 : index
    %get3A_7 = arith.constant 0 : index
    %get3A_8 = vector.load %arg1[%get3A_6, %get3A_7] : memref<8x128xf32, #tpu.memory_space<vmem>>, vector<8x128xf32>
    %reduce_sum3A_9 = vector.shape_cast %get3A_8 : vector<8x128xf32> to vector<1x8x128xf32>
    %reduce_sum3A_10 = arith.constant dense<0.000000e+00> : vector<1xf32>
    %reduce_sum3A_11 = vector.multi_reduction <add>, %reduce_sum3A_9, %reduce_sum3A_10 [1, 2] : vector<1x8x128xf32> to vector<1xf32>
    %reduce_sum3A_12 = vector.shape_cast %reduce_sum3A_11 : vector<1xf32> to vector<1x1x1xf32>
    %reduce_sum3A_13 = vector.extract %reduce_sum3A_12[0, 0, 0] : f32 from vector<1x1x1xf32>
    %add3A = arith.addf %reduce_sum3A_5, %reduce_sum3A_13 : f32
    %get3A_14 = arith.constant 4 : index
    %get3A_15 = arith.constant 0 : index
    %get3A_16 = vector.load %arg0[%get3A_14, %get3A_15] : memref<8x128xf32, #tpu.memory_space<vmem>>, vector<4x128xf32>
    %reduce_sum3A_17 = vector.shape_cast %get3A_16 : vector<4x128xf32> to vector<1x4x128xf32>
    %reduce_sum3A_18 = arith.constant dense<0.000000e+00> : vector<1xf32>
    %reduce_sum3A_19 = vector.multi_reduction <add>, %reduce_sum3A_17, %reduce_sum3A_18 [1, 2] : vector<1x4x128xf32> to vector<1xf32>
    %reduce_sum3A_20 = vector.shape_cast %reduce_sum3A_19 : vector<1xf32> to vector<1x1x1xf32>
    %reduce_sum3A_21 = vector.extract %reduce_sum3A_20[0, 0, 0] : f32 from vector<1x1x1xf32>
    %get3A_22 = arith.constant 0 : index
    %get3A_23 = arith.constant 0 : index
    %get3A_24 = vector.load %arg2[%get3A_22, %get3A_23] : memref<8x128xf32, #tpu.memory_space<vmem>>, vector<8x128xf32>
    %reduce_sum3A_25 = vector.shape_cast %get3A_24 : vector<8x128xf32> to vector<1x8x128xf32>
    %reduce_sum3A_26 = arith.constant dense<0.000000e+00> : vector<1xf32>
    %reduce_sum3A_27 = vector.multi_reduction <add>, %reduce_sum3A_25, %reduce_sum3A_26 [1, 2] : vector<1x8x128xf32> to vector<1xf32>
    %reduce_sum3A_28 = vector.shape_cast %reduce_sum3A_27 : vector<1xf32> to vector<1x1x1xf32>
    %reduce_sum3A_29 = vector.extract %reduce_sum3A_28[0, 0, 0] : f32 from vector<1x1x1xf32>
    %add3A_30 = arith.addf %reduce_sum3A_21, %reduce_sum3A_29 : f32
    %mul3A = arith.constant 2.500000e-01 : f32
    %mul3A_31 = arith.mulf %add3A, %mul3A : f32
    %div3A = arith.divf %mul3A_31, %add3A_30 : f32
    %broadcast_in_dim3A = vector.broadcast %div3A : f32 to vector<1x1xf32>
    %swap3A = arith.constant 0 : index
    %swap3A_32 = arith.constant 0 : index
    %swap3A_33 = vector.load %arg3[%swap3A, %swap3A_32] : memref<1x1xf32, #tpu.memory_space<vmem>>, vector<1x1xf32>
    tpu.vector_store %arg3[%swap3A, %swap3A_32], %broadcast_in_dim3A {strides = array<i32>} : memref<1x1xf32, #tpu.memory_space<vmem>>, vector<1x1xf32>,
    return
  }
}

</mosaic_0001>

<sc_bundles>
// kernel: kernel.5.cloned.1.call-start
scs
__scs_entry_jumppad:
0x0: {  	(pc) =	sbr.rel $0x88, $3  }
0x1: {  	(tag) =	ssettag $0x0;
	lr =	simm.s32 $0x1  }
0x2: {  	[smem:$0x3F9E] =	sst lr;
	_ =	strace $0xD0000000  }
0x3: {  	_ = 	snop  }
0x4: {  	_ = 	snop  }
0x5: {  	_ = 	snop  }
0x6: {  	_ = 	snop  }
0x7: {  	_ = 	snop  }
__scs_overlays_trampoline_lowered:
0x8: {  	[smem:$0x3FAD] =	sst s0  }
0x9: {  	[smem:$0x3FAE] =	sst s1  }
0xa: {  	[smem:$0x3FAF] =	sst s2  }
0xb: {  	[smem:$0x3FB0] =	sst s3  }
0xc: {  	[smem:$0x3FB1] =	sst s4  }
0xd: {  	[smem:$0x3FB2] =	sst s5  }
0xe: {  	[smem:$0x3FB3] =	sst s6  }
0xf: {  	[smem:$0x3FB4] =	sst s7  }
0x10: {  	[smem:$0x3FB5] =	sst s8  }
0x11: {  	[smem:$0x3FB6] =	sst s9;
	s0 =	simm.s32 @!p0 $0x0  }
0x12: {  	s1 =	sld [smem:$0x3F9C];
	s0 =	simm.s32 @p0 $0x1  }
0x13: {  	[smem:$0x3FB7] =	sst s0;
	s0 =	simm.s32 @!p1 $0x0  }
0x14: {  	s2 =	sld [smem:$0x3F9B];
	s0 =	simm.s32 @p1 $0x1  }
0x15: {  	[smem:$0x3FB8] =	sst s0;
	s0 =	simm.s32 @!p2 $0x0  }
0x16: {  	s3 =	sld [smem:$0x3FDB];
	s0 =	simm.s32 @p2 $0x1  }
0x17: {  	s4 =	simm.s32 $0x1BF5;
	[smem:$0x3FBA] =	sst s0  }
0x18: {  	s0 =	sld [smem:$0x3F9D];
	_ =	swait.ge [sflag:s4], $0x0  }
0x19: {  	s7 =	sld [smem:$0x3F9E]  }
0x1a: {  	s8 =	sadd.s32 $0xFFFFE003, lr  }
0x1b: {  	s9 =	sadd.s32 $0xFFFFFEF7, lr;
	s5 =	simm.s32 $0xFFFFFFFF;
	p2 =	slt.u32 s8, $0xFFFFF086  }
0x1c: {  	p1 =	slt.u32 s9, $0xF7A;
	s5 =	simm.s32 @!p2 $0x0  }
0x1d: {  	s5 =	simm.s32 @p1 $0x1;
	p0 =	seq.s32 s7, s2  }
0x1e: {  	s7 =	smul.u32 @!p0 $0xF7A, s2;
	p2 =	seq.s32 @!p0 s5, $0x0  }
0x1f: {  	s9 =	smul.u32 $0xF7A, s1;
	s8 =	simm.s32 @!p0 $0x1BF5;
	p2 =	por !p2, p0  }
0x20: {  	[sflag:s8] =	ssyncset.s32 @!p0 $0xFFFFF086;
	s6 =	sadd.s32 @!p0 s3, s7;
	s7 =	simm.s32 @!p0 $0x108  }
0x21: {  	s3 =	sadd.s32 s3, s9;
	s6 =	sadd.s32 @!p0 $0x88, s6;
	s7 =	simm.s32 @p2 $0x1082  }
0x22: {  	[simem:s7], [sflag:s8] =	dma.local @!p0 [hbm:s6], $0xF7A  }
0x23: {  	s9 =	sor.u32 $0xD0000000, s2;
	s6 =	simm.s32 $0x108;
	_ =	swait.ge @!p0 [sflag:s8], $0x0  }
0x24: {  	s3 =	sadd.s32 $0x88, s3;
	s6 =	simm.s32 @!p1 $0x1082;
	[sflag:s4] =	ssyncset.s32 $0xFFFFF086  }
0x25: {  	[simem:s6], [sflag:s4] =	dma.local [hbm:s3], $0xF7A  }
0x26: {  	[smem:$0x3F9E] =	sst s1;
	(tag) =	ssettag s2;
	_ =	strace s9  }
0x27: {  	s1 =	sld [smem:$0x3FAE]  }
0x28: {  	s2 =	sld [smem:$0x3FAF]  }
0x29: {  	s4 =	sld [smem:$0x3FB1]  }
0x2a: {  	p0 =	seq.s32 s5, $0x0;
	s5 =	sld [smem:$0x3FB2]  }
0x2b: {  	s6 =	sld [smem:$0x3FB3]  }
0x2c: {  	s7 =	sld [smem:$0x3FB4]  }
0x2d: {  	s3 =	simm.s32 $0x108;
	s8 =	sld [smem:$0x3FB5]  }
0x2e: {  	s3 =	simm.s32 @!p0 $0x1082;
	s9 =	sld [smem:$0x3FB6]  }
0x2f: {  	lr =	sadd.s32 s0, s3;
	s0 =	sld [smem:$0x3FAD]  }
0x30: {  	s3 =	sld [smem:$0x3FB0]  }
0x31: {  	[smem:$0x3FB9] =	sst s10  }
0x32: {  	s10 =	sld [smem:$0x3FB7];
	_ =	sdelay $0x3  }
0x33: {  	p0 =	seq.s32 s10, $0x1;
	s10 =	sld [smem:$0x3FB9];
	_ =	sdelay $0x3  }
0x34: {  	[smem:$0x3FB9] =	sst s10  }
0x35: {  	s10 =	sld [smem:$0x3FB8];
	_ =	sdelay $0x3  }
0x36: {  	p1 =	seq.s32 s10, $0x1;
	s10 =	sld [smem:$0x3FB9];
	_ =	sdelay $0x3  }
0x37: {  	[smem:$0x3FB9] =	sst s10  }
0x38: {  	s10 =	sld [smem:$0x3FBA]  }
0x39: {  	_ = 	snop;
	(pc) =	sbr.ind lr, $3  }
0x3a: {  	_ = 	snop  }
0x3b: {  	_ = 	snop  }
0x3c: {  	p2 =	seq.s32 s10, $0x1;
	s10 =	sld [smem:$0x3FB9]  }
0x3d: {  	_ =	shalt  }
0x3e: {  	_ =	shalt  }
0x3f: {  	_ =	shalt  }
0x40: {  	_ =	shalt  }
0x41: {  	_ =	shalt  }
0x42: {  	_ =	shalt  }
0x43: {  	_ =	shalt  }
0x44: {  	_ =	shalt  }
0x45: {  	_ =	shalt  }
0x46: {  	_ =	shalt  }
0x47: {  	_ =	shalt  }
0x48: {  	_ =	shalt  }
0x49: {  	_ =	shalt  }
0x4a: {  	_ =	shalt  }
0x4b: {  	_ =	shalt  }
0x4c: {  	_ =	shalt  }
0x4d: {  	_ =	shalt  }
0x4e: {  	_ =	shalt  }
0x4f: {  	_ =	shalt  }
0x50: {  	_ =	shalt  }
0x51: {  	_ =	shalt  }
0x52: {  	_ =	shalt  }
0x53: {  	_ =	shalt  }
0x54: {  	_ =	shalt  }
0x55: {  	_ =	shalt  }
0x56: {  	_ =	shalt  }
0x57: {  	_ =	shalt  }
0x58: {  	_ =	shalt  }
0x59: {  	_ =	shalt  }
0x5a: {  	_ =	shalt  }
0x5b: {  	_ =	shalt  }
0x5c: {  	_ =	shalt  }
0x5d: {  	_ =	shalt  }
0x5e: {  	_ =	shalt  }
0x5f: {  	_ =	shalt  }
0x60: {  	_ =	shalt  }
0x61: {  	_ =	shalt  }
0x62: {  	_ =	shalt  }
0x63: {  	_ =	shalt  }
0x64: {  	_ =	shalt  }
0x65: {  	_ =	shalt  }
0x66: {  	_ =	shalt  }
0x67: {  	_ =	shalt  }
0x68: {  	_ =	shalt  }
0x69: {  	_ =	shalt  }
0x6a: {  	_ =	shalt  }
0x6b: {  	_ =	shalt  }
0x6c: {  	_ =	shalt  }
0x6d: {  	_ =	shalt  }
0x6e: {  	_ =	shalt  }
0x6f: {  	_ =	shalt  }
0x70: {  	_ =	shalt  }
0x71: {  	_ =	shalt  }
0x72: {  	_ =	shalt  }
0x73: {  	_ =	shalt  }
0x74: {  	_ =	shalt  }
0x75: {  	_ =	shalt  }
0x76: {  	_ =	shalt  }
0x77: {  	_ =	shalt  }
0x78: {  	_ =	shalt  }
0x79: {  	_ =	shalt  }
0x7a: {  	_ =	shalt  }
0x7b: {  	_ =	shalt  }
0x7c: {  	_ =	shalt  }
0x7d: {  	_ =	shalt  }
0x7e: {  	_ =	shalt  }
0x7f: {  	_ =	shalt  }
0x80: {  	_ =	shalt  }
0x81: {  	_ =	shalt  }
0x82: {  	_ =	shalt  }
0x83: {  	_ =	shalt  }
0x84: {  	_ =	shalt  }
0x85: {  	_ =	shalt  }
0x86: {  	_ =	shalt  }
0x87: {  	_ =	shalt  }
.Lfunc_end0:
.L_simem_size_0:
called_computation_lowered:
.L_overlay_start_0:
0x88: {  	s2 =	sld [smem:$0x3FD9]  }
0x89: {  	s3 =	sld [smem:$0x3FFE];
	_ =	sdelay $0x1  }
0x8a: {  	s1 =	srdreg.scid  }
0x8b: {  	s0 =	sand.u32 $0x1, s1  }
0x8c: {  	s17 =	sshll.u32 s0, $0xA;
	s2 =	sadd.s32 s3, s2  }
0x8d: {  	s2 =	sadd.s32 s2, s17  }
0x8e: {  	[smem:$0x3FC5] =	sst s2  }
0x8f: {  	_ = 	snop  }
0x90: {  	s2 =	sld [smem:$0x3FC9]  }
0x91: {  	s18 =	sld [smem:$0x3FC8]  }
0x92: {  	s4 =	sld [smem:$0x3FC7];
	(tm) =	ssettm $0x1  }
0x93: {  	s5 =	sld [smem:$0x3FFB];
	_ =	sdelay $0x3  }
0x94: {  	_ =	strace s5  }
0x95: {  	s5 =	sld [smem:$0x3FFC];
	_ =	sdelay $0x3  }
0x96: {  	_ =	strace s5  }
0x97: {  	s5 =	sld [smem:$0x3FFD];
	_ =	sdelay $0x3  }
0x98: {  	_ =	strace s5  }
0x99: {  	_ =	strace $0x8FFFFFFF  }
0x9a: {  	s19 =	sld [smem:$0x3FDB];
	_ =	sdelay $0x1  }
0x9b: {  	s6 =	simm.s32 $_scs_section_size  }
0x9c: {  	s7 =	simm.s32 $_size__tile_overlayer_lowered;
	s8 =	simm.s32 $_tile_overlayer_lowered  }
0x9d: {  	s22 =	simm.s32 $0x1BFF;
	s21 =	sshll.u32 s8, $0x1;
	s5 =	sadd.s32 s6, s19  }
0x9e: {  	s9 =	simm.s32 $0x0;
	s20 =	sshll.u32 s7, $0x1;
	s7 =	sadd.s32 s21, s5  }
0x9f: {  	[timem:s9], [sflag:s22] =	dma.local [hbm:s7], s20  }
0xa0: {  	_ =	swait.ge [sflag:s22], s20  }
0xa1: {  	s6 =	ssub.s32 $0x0, s20;
	[sflag:s22] =	ssyncset.done $0x0  }
0xa2: {  	[sflag:s22] =	ssyncadd.s32 s6;
	_ =	sdelay $0x1  }
0xa3: {  	s23 =	simm.s32 $0x1B8B  }
0xa4: {  	_ =	swait.ge [sflag:s23], $0x1  }
0xa5: {  	[sflag:s23] =	ssyncset.done $0x0  }
0xa6: {  	s25 =	simm.s32 $0x1B8E;
	s24 =	sld [smem:$0x3FFE];
	[sflag:s23] =	ssyncadd.s32 $0xFFFFFFFF  }
0xa7: {  	s26 =	simm.s32 $execute0_lowered;
	[smem:$0x3FD2] =	sst s25  }
0xa8: {  	s7 =	sshll.u32 s26, $0x1;
	_ =	strace $0x80000046;
	[dreg:$0x1] =	wrdreg $0xFFFFFFFF  }
0xa9: {  	s28 =	simm.s32 $_size_execute0_lowered;
	s5 =	sadd.s32 s5, s7;
	[dreg:$0x0] =	wrdreg $0x0  }
0xaa: {  	s7 =	sshll.u32 s28, $0x1;
	[dreg:$0x2] =	wrdreg s5  }
0xab: {  	[dreg:$0x3] =	wrdreg s7  }
0xac: {  	[dreg:$0x4] =	wrdreg $0xC0  }
0xad: {  	_ =	task [dreg:s9], $0x5FFFF  }
0xae: {  	[dreg:$0x1] =	wrdreg $0xFFFFFFFF  }
0xaf: {  	[dreg:$0x0] =	wrdreg $0x60  }
0xb0: {  	[dreg:$0x2] =	wrdreg s2  }
0xb1: {  	[dreg:$0x3] =	wrdreg s18  }
0xb2: {  	[dreg:$0x4] =	wrdreg s4  }
0xb3: {  	[dreg:$0x5] =	wrdreg s24  }
0xb4: {  	[dreg:$0x6] =	wrdreg $0x9  }
0xb5: {  	_ =	task.clear_ibuf [dreg:s9], $0x7FFFF;
	_ =	strace $0x90000046  }
0xb6: {  	s29 =	simm.s32 $0x9;
	_ =	strace $0x80000048  }
0xb7: {  	_ =	swait.ge [sflag:s29], $0x1  }
0xb8: {  	[sflag:s29] =	ssyncadd.s32 $0xFFFFFFFF  }
0xb9: {  	_ =	strace $0x90000048  }
0xba: {  	_ =	sfence  }
0xbb: {  	s30 =	sld [smem:$0x0];
	_ =	sdelay $0x2  }
0xbc: {  	s31 =	sshll.u32 s1, $0xD;
	s1 =	sshrl.u32 s1, $0x2  }
0xbd: {  	s3 =	sand.u32 $0x4000, s31;
	s1 =	sadd.s32 s1, s30  }
0xbe: {  	s0 =	sor.u32 s3, s0;
	s1 =	sshll.u32 s1, $0x11  }
0xbf: {  	s0 =	sor.u32 s1, s0  }
0xc0: {  	s0 =	sadd.s32 $0x8F2B, s0  }
0xc1: {  	[sflag:s0] =	ssyncadd.remote.s32 $0x1  }
0xc2: {  	_ =	sfence.sel $0xFFFF  }
0xc3: {  	[dreg:$0x0] =	wrdreg $0xFFFFFFFF;
	(pc) =	sbr.abs _section_cstart, $3  }
0xc4: {  	[dreg:$0x1] =	wrdreg $0xFFFFFFFF  }
0xc5: {  	_ =	task.clear_ibuf [dreg:s9], $0x2FFFF;
	_ =	strace $0x9FFFFFFF  }
0xc6: {  	(tm) =	ssettm $0x7FFFFFFF  }
0xc7: {  	_ =	shalt  }
tec
execute0_lowered:
.L_overlay_start_1:
0x0: {  	(tag) =	ssettag $0x1  }
0x1: {  	s1 =	rddreg [dreg:$0x0]  }
0x2: {  	s2 =	rddreg [dreg:$0x1]  }
0x3: {  	s4 =	rddreg [dreg:$0x2];
	s0 =	srdreg.scid  }
0x4: {  	s7 =	stileid.u32;
	s3 =	rddreg [dreg:$0x3]  }
0x5: {  	s5 =	simm.s32 $0x0;
	s19 =	simm.s32 $0x4800;
	s20 =	simm.s32 $0x6800  }
0x6: {  	s21 =	simm.s32 $0x8800;
	s22 =	simm.s32 $0x1;
	s23 =	simm.s32 $0x2  }
0x7: {  	s24 =	simm.s32 $0x9000;
	s25 =	simm.s32 $0x3;
	s26 =	simm.s32 $0x9080  }
0x8: {  	s28 =	simm.s32 $0x0;
	s0 =	sand.u32 $0x1, s0;
	s6 =	sshll.u32 s7, $0x1  }
0x9: {  	[smem:$0x7FF] =	sst s5;
	s7 =	sshll.u32 s7, $0x2;
	s6 =	sor.u32 s0, s6  }
0xa: {  	s7 =	sand.u32 $0x30, s7;
	s0 =	ssub.s32 $0x2, s0;
	s13 =	smul.u32 $0x3000, s6  }
0xb: {  	s8 =	sshll.u32 s6, $0x1;
	s29 =	smul.u32 $0x1800, s6;
	s30 =	sshrl.u32 s0, $0x1  }
0xc: {  	_ =	strace $0x80000047;
	s8 =	sand.u32 $0xE, s8;
	s0 =	ssub.s32 s0, s30  }
0xd: {  	s7 =	sor.u32 s7, s8;
	s6 =	sadd.s32 s1, s29;
	s10 =	sor.u32 $0x800, s13  }
.Ltmp0:
0xe: {  	s31 =	sshrl.u32 s13, $0x3;
	s16 =	smax.u32 s0, $0x1;
	(pc) =	sbr.rel .LBB2_1-.Ltmp0, $4  }
0xf: {  	s3 =	sadd.s32 s7, s3;
	s7 =	sadd.s32 s4, s29;
	s11 =	sshrl.u32 s10, $0x1  }
0x10: {  	s8 =	sadd.s32 s2, s31;
	s12 =	sshrl.u32 s10, $0x3;
	s9 =	sadd.s32 s1, s11  }
0x11: {  	s10 =	sadd.s32 s4, s11;
	s11 =	sadd.s32 s2, s12;
	s12 =	sadd.s32 $0x1000, s13  }
0x12: {  	v0 =	vimm.f32 $0.0e+00;
	s13 =	sadd.s32 $0x1800, s13;
	s14 =	sadd.s32 $0xC00, s3;
	s15 =	sadd.s32 $0xC40, s3  }
.LBB2_8:
0x13: {  	[tilespmem:$0x9000] =	vst v1  }
0x14: {  	[tilespmem:$0x9080] =	vst v3  }
0x15: {  	[hbm4b:s14+s5] =	stream.linear.scatter [tilespmem:s24], [sflag:$0x3], $0x10, $0x38;
	[tilespmem:$0x9100] =	vst v63  }
0x16: {  	s28 =	sadd.s32 $0x1, s28;
	_ =	swait.ge [sflag:s25], $0x10  }
0x17: {  	p0 =	sne.s32 s28, s16;
	[sflag:s25] =	ssyncset.done $0x0  }
.Ltmp1:
0x18: {  	[sflag:s25] =	ssyncadd.s32 $0xFFFFFFF0;
	(pc) =	sbr.rel @!p0 .LBB2_9-.Ltmp1, $4  }
0x19: {  	[hbm4b:s15+s5] =	stream.linear.scatter [tilespmem:s26], [sflag:$0x3], $0x10, $0x38;
	[tilespmem:$0x9100] =	vst v63  }
0x1a: {  	_ =	swait.ge [sflag:s25], $0x10  }
0x1b: {  	[sflag:s25] =	ssyncset.done $0x0  }
0x1c: {  	[sflag:s25] =	ssyncadd.s32 $0xFFFFFFF0  }
.LBB2_1:
0x1d: {  	[tilespmem:s5], [sflag:$0x1] =	stream.linear.gather [hbm4b:s6+s5], $0x2000, $0x38;
	[tilespmem:$0x9100] =	vst v63  }
0x1e: {  	s0 =	simm.s32 $0x2000  }
0x1f: {  	[tilespmem:s0], [sflag:$0x1] =	stream.linear.gather [hbm4b:s7+s5], $0x2000, $0x38;
	[tilespmem:$0x9100] =	vst v63  }
0x20: {  	s31 =	simm.s32 $0x4000  }
0x21: {  	[tilespmem:s31], [sflag:$0x1] =	stream.linear.gather [hbm4b:s8+s5], $0x800, $0x38;
	[tilespmem:$0x9100] =	vst v63  }
0x22: {  	_ = 	snop  }
0x23: {  	[tilespmem:s19], [sflag:$0x2] =	stream.linear.gather [hbm4b:s9+s5], $0x2000, $0x38;
	[tilespmem:$0x9100] =	vst v63  }
0x24: {  	_ = 	snop  }
0x25: {  	[tilespmem:s20], [sflag:$0x2] =	stream.linear.gather [hbm4b:s10+s5], $0x2000, $0x38;
	[tilespmem:$0x9100] =	vst v63  }
0x26: {  	s29 =	simm.s32 $0x0  }
0x27: {  	v3 =	vimm.f32 $0.0e+00;
	v1 =	vimm.f32 $0.0e+00;
	[tilespmem:s21], [sflag:$0x2] =	stream.linear.gather [hbm4b:s11+s5], $0x800, $0x38;
	[tilespmem:$0x9100] =	vst v63  }
.LBB2_2:
0x28: {  	_ =	swait.ge [sflag:s22], $0x2000  }
0x29: {  	[sflag:s22] =	ssyncset.done $0x0  }
0x2a: {  	[sflag:s22] =	ssyncadd.s32 $0xFFFFE000  }
0x2b: {  	s0 =	simm.s32 $0x0;
	_ =	swait.ge [sflag:s22], $0x2000  }
0x2c: {  	s0 =	smul.u32 $0x180, s0;
	[sflag:s22] =	ssyncset.done $0x0  }
0x2d: {  	[sflag:s22] =	ssyncadd.s32 $0xFFFFE000  }
0x2e: {  	s3 =	simm.s32 $0x0;
	s0 =	sadd.s32 $0x0, s0;
	_ =	swait.ge [sflag:s22], $0x800  }
0x2f: {  	s3 =	sand.u32 $0x70, s3;
	s0 =	sand.u32 $0x3F80, s0;
	[sflag:s22] =	ssyncset.done $0x0  }
0x30: {  	s0 =	sor.u32 s3, s0;
	[sflag:s22] =	ssyncadd.s32 $0xFFFFF800  }
0x31: {  	v2 =	vld [tilespmem:s0+$0x180]  }
0x32: {  	v4 =	vld [tilespmem:s0+$0x2100]  }
0x33: {  	v5 =	vld [tilespmem:s0+$0x2180]  }
0x34: {  	v6 =	vld [tilespmem:s0+$0x2000]  }
0x35: {  	v7 =	vld [tilespmem:s0+$0x100]  }
0x36: {  	v8 =	vld [tilespmem:s0+$0x0]  }
0x37: {  	s18 =	simm.s32 $0x0;
	v9 =	vld [tilespmem:s0+$0x2080]  }
0x38: {  	s17 =	simm.s32 $0x4000;
	s3 =	smul.u32 $0x180, s18;
	v10 =	vld [tilespmem:s0+$0x80]  }
0x39: {  	v11 =	vld [tilespmem:s17+$0x0]  }
0x3a: {  	s3 =	sadd.s32 $0x10, s3;
	s17 =	simm.s32 $0x10  }
0x3b: {  	s3 =	sand.u32 $0x3F80, s3;
	s0 =	sand.u32 $0x70, s17  }
0x3c: {  	s0 =	sor.u32 s0, s3  }
0x3d: {  	s18 =	simm.s32 $0x4010;
	v17 =	vld [tilespmem:s0+$0x100];
	v2 =	vsub.f32 v2, v5;
	v4 =	vsub.f32 v7, v4  }
0x3e: {  	v5 =	vld [tilespmem:s18+$0x0];
	v6 =	vsub.f32 v8, v6;
	v8 =	vsub.f32 v10, v9;
	vm1 =	veq.s32 v11, $0x1  }
0x3f: {  	v7 =	vld [tilespmem:s0+$0x180];
	vm1 =	vmmov vm1;
	v2 =	vand.u32 $0x7FFFFFFF, v2  }
0x40: {  	v11 =	vld [tilespmem:s0+$0x2180];
	v4 =	vand.u32 $0x7FFFFFFF, v4;
	v6 =	vand.u32 $0x7FFFFFFF, v6;
	v8 =	vand.u32 $0x7FFFFFFF, v8  }
0x41: {  	v9 =	vld [tilespmem:s0+$0x2100];
	v10 =	vmin.f32 v2, $1.000000000e+00;
	v12 =	vmin.f32 v4, $1.000000000e+00;
	v15 =	vmin.f32 v8, $1.000000000e+00  }
0x42: {  	v14 =	vld [tilespmem:s0+$0x2000];
	v20 =	vmin.f32 v6, $1.000000000e+00;
	v13 =	vmul.f32 $5.000000000e-01, v10;
	v16 =	vmul.f32 $5.000000000e-01, v12  }
0x43: {  	v19 =	vld [tilespmem:s0+$0x0];
	v4 =	vsub.f32 v4, v12;
	v18 =	vmul.f32 $5.000000000e-01, v15;
	v8 =	vsub.f32 v8, v15  }
0x44: {  	s18 =	simm.s32 $0x0;
	v6 =	vsub.f32 v6, v20;
	vm0 =	veq.s32 v5, $0x1;
	v12 =	vmul.f32 v16, v12;
	v16 =	vld [tilespmem:s0+$0x2080]  }
0x45: {  	s3 =	smul.u32 $0x180, s18;
	v5 =	vmul.f32 $5.000000000e-01, v20;
	v7 =	vsub.f32 v7, v11;
	v15 =	vmul.f32 v18, v15;
	v18 =	vld [tilespmem:s0+$0x80]  }
0x46: {  	v9 =	vsub.f32 v17, v9;
	v13 =	vmul.f32 v13, v10;
	v10 =	vsub.f32 v2, v10  }
0x47: {  	s30 =	simm.s32 $0x20;
	s17 =	sadd.s32 $0x20, s3;
	v2 =	vsel vm1, $0x3F800000, v0;
	v11 =	vmul.f32 v5, v20;
	v22 =	vand.u32 $0x7FFFFFFF, v7  }
0x48: {  	s31 =	simm.s32 $0x4020;
	s18 =	sand.u32 $0x70, s30;
	s0 =	sand.u32 $0x3F80, s17;
	v9 =	vand.u32 $0x7FFFFFFF, v9;
	v8 =	vadd.f32 v15, v8;
	v5 =	vadd.f32 v13, v10  }
0x49: {  	s3 =	sor.u32 s18, s0;
	v13 =	vadd.f32 v12, v4;
	v4 =	vld [tilespmem:s31+$0x0];
	v12 =	vsub.f32 v19, v14;
	v19 =	vmin.f32 v22, $1.000000000e+00  }
0x4a: {  	v10 =	vld [tilespmem:s3+$0x180];
	v23 =	vmin.f32 v9, $1.000000000e+00;
	v11 =	vadd.f32 v11, v6;
	v14 =	vsub.f32 v18, v16  }
0x4b: {  	v3 =	vadd.f32 v2, v3;
	v7 =	vld [tilespmem:s3+$0x2100];
	v15 =	vmul.f32 $5.000000000e-01, v19;
	v24 =	vmul.f32 $5.000000000e-01, v23  }
0x4c: {  	v6 =	vand.u32 $0x7FFFFFFF, v12;
	v12 =	vld [tilespmem:s3+$0x2180];
	v11 =	vadd.f32 v8, v11;
	v16 =	vand.u32 $0x7FFFFFFF, v14  }
0x4d: {  	v9 =	vsub.f32 v9, v23;
	v8 =	vld [tilespmem:s3+$0x2000];
	v15 =	vmul.f32 v15, v19;
	v18 =	vmin.f32 v16, $1.000000000e+00  }
0x4e: {  	v19 =	vsub.f32 v22, v19;
	v14 =	vld [tilespmem:s3+$0x100];
	v21 =	vadd.f32 v13, v11;
	v20 =	vmul.f32 $5.000000000e-01, v18  }
0x4f: {  	s0 =	simm.s32 $0x3;
	v11 =	vld [tilespmem:s3+$0x0];
	v13 =	vmul.f32 v24, v23;
	v17 =	vsub.f32 v16, v18;
	v16 =	vmin.f32 v6, $1.000000000e+00  }
.LBB2_3:
0x50: {  	v18 =	vmul.f32 v20, v18  }
0x51: {  	s17 =	sshrl.u32 s0, $0x3;
	p0 =	sne.s32 s0, $0x7F;
	s0 =	sadd.s32 $0x1, s0;
	v22 =	vld [tilespmem:s3+$0x2080];
	v20 =	vadd.f32 v5, v21;
	vm1 =	vmmov vm0;
	vm0 =	veq.s32 v4, $0x1  }
0x52: {  	s17 =	smul.u32 $0x180, s17;
	v21 =	vld [tilespmem:s3+$0x80];
	v4 =	vsub.f32 v10, v12;
	v10 =	vsel vm1, $0x3F800000, v0;
	v12 =	vmul.f32 $5.000000000e-01, v16  }
0x53: {  	s30 =	sadd.s32 $0x10, s30;
	v5 =	vadd.f32 v15, v19;
	v17 =	vadd.f32 v18, v17;
	v15 =	vmul.f32 v20, v2;
	v2 =	vmovc v10  }
0x54: {  	v6 =	vsub.f32 v6, v16;
	s3 =	sadd.s32 s17, s30;
	v7 =	vsub.f32 v14, v7;
	v10 =	vmul.f32 v12, v16  }
0x55: {  	s31 =	sadd.s32 $0x10, s31;
	v13 =	vadd.f32 v13, v9;
	s17 =	sand.u32 $0x70, s30;
	v19 =	vand.u32 $0x7FFFFFFF, v4;
	s3 =	sand.u32 $0x3F80, s3;
	v1 =	vadd.f32 v15, v1  }
0x56: {  	v8 =	vsub.f32 v11, v8;
	v4 =	vld [tilespmem:s31+$0x0];
	s3 =	sor.u32 s17, s3;
	v9 =	vand.u32 $0x7FFFFFFF, v7;
	v11 =	vadd.f32 v10, v6  }
0x57: {  	v3 =	vadd.f32 v2, v3;
	v10 =	vld [tilespmem:s3+$0x180];
	v14 =	vsub.f32 v21, v22;
	v22 =	vmin.f32 v19, $1.000000000e+00  }
.Ltmp2:
0x58: {  	v6 =	vand.u32 $0x7FFFFFFF, v8;
	v23 =	vmin.f32 v9, $1.000000000e+00;
	v7 =	vld [tilespmem:s3+$0x2100];
	v15 =	vmul.f32 $5.000000000e-01, v22;
	(pc) =	sbr.rel @p0 .LBB2_3-.Ltmp2, $4  }
0x59: {  	v24 =	vmul.f32 $5.000000000e-01, v23;
	v11 =	vadd.f32 v17, v11;
	v12 =	vld [tilespmem:s3+$0x2180];
	v16 =	vand.u32 $0x7FFFFFFF, v14  }
0x5a: {  	v9 =	vsub.f32 v9, v23;
	v8 =	vld [tilespmem:s3+$0x2000];
	v18 =	vmin.f32 v16, $1.000000000e+00;
	v15 =	vmul.f32 v15, v22  }
0x5b: {  	v21 =	vadd.f32 v13, v11;
	v14 =	vld [tilespmem:s3+$0x100];
	v20 =	vmul.f32 $5.000000000e-01, v18;
	v17 =	vsub.f32 v16, v18  }
0x5c: {  	v19 =	vsub.f32 v19, v22;
	v13 =	vmul.f32 v24, v23;
	v16 =	vmin.f32 v6, $1.000000000e+00;
	v11 =	vld [tilespmem:s3+$0x0]  }
0x5d: {  	s30 =	sshll.u32 s29, $0xC;
	p0 =	seq.s32 s29, $0x2  }
0x5e: {  	s0 =	sadd.s32 @!p0 s30, s12  }
0x5f: {  	s17 =	sshrl.u32 @!p0 s0, $0x1  }
0x60: {  	v22 =	vld [tilespmem:s3+$0x2080];
	s17 =	sand.u32 @!p0 $0x1FFFF800, s17  }
0x61: {  	v23 =	vld [tilespmem:s3+$0x80];
	s31 =	simm.s32 @!p0 $0x0;
	s3 =	sadd.s32 @!p0 s1, s17  }
0x62: {  	[tilespmem:s31], [sflag:$0x1] =	stream.linear.gather @!p0 [hbm4b:s3+s31], $0x2000, $0x38;
	[tilespmem:$0x9100] =	vst v63  }
0x63: {  	s0 =	sshrl.u32 @!p0 s0, $0x3;
	s3 =	sadd.s32 @!p0 s4, s17;
	s17 =	simm.s32 @!p0 $0x2000  }
0x64: {  	[tilespmem:s17], [sflag:$0x1] =	stream.linear.gather @!p0 [hbm4b:s3+s31], $0x2000, $0x38;
	[tilespmem:$0x9100] =	vst v63  }
0x65: {  	v5 =	vadd.f32 v5, v21;
	v6 =	vsub.f32 v6, v16;
	s0 =	sadd.s32 @!p0 s2, s0;
	s3 =	simm.s32 @!p0 $0x4000  }
0x66: {  	v18 =	vmul.f32 v20, v18;
	v10 =	vsub.f32 v10, v12;
	v15 =	vadd.f32 v15, v19;
	[tilespmem:s3], [sflag:$0x1] =	stream.linear.gather @!p0 [hbm4b:s0+s31], $0x800, $0x38;
	[tilespmem:$0x9100] =	vst v63  }
0x67: {  	v12 =	vmul.f32 $5.000000000e-01, v16;
	v9 =	vadd.f32 v13, v9;
	v7 =	vsub.f32 v14, v7;
	_ =	swait.ge [sflag:s23], $0x2000  }
0x68: {  	v8 =	vsub.f32 v11, v8;
	v11 =	vsub.f32 v23, v22;
	[sflag:s23] =	ssyncset.done $0x0  }
0x69: {  	v17 =	vadd.f32 v18, v17;
	v12 =	vmul.f32 v12, v16;
	v10 =	vand.u32 $0x7FFFFFFF, v10;
	[sflag:s23] =	ssyncadd.s32 $0xFFFFE000  }
0x6a: {  	v7 =	vand.u32 $0x7FFFFFFF, v7;
	v8 =	vand.u32 $0x7FFFFFFF, v8;
	v11 =	vand.u32 $0x7FFFFFFF, v11;
	s17 =	simm.s32 $0x0;
	_ =	swait.ge [sflag:s23], $0x2000  }
0x6b: {  	v6 =	vadd.f32 v12, v6;
	v13 =	vmin.f32 v8, $1.000000000e+00;
	v12 =	vmin.f32 v11, $1.000000000e+00;
	s0 =	smul.u32 $0x180, s17;
	[sflag:s23] =	ssyncset.done $0x0  }
0x6c: {  	v14 =	vmin.f32 v7, $1.000000000e+00;
	v18 =	vmul.f32 $5.000000000e-01, v13;
	v16 =	vmul.f32 $5.000000000e-01, v12;
	[sflag:s23] =	ssyncadd.s32 $0xFFFFE000  }
0x6d: {  	s18 =	simm.s32 $0x0;
	v19 =	vmin.f32 v10, $1.000000000e+00;
	v20 =	vmul.f32 $5.000000000e-01, v14;
	v8 =	vsub.f32 v8, v13;
	s0 =	sadd.s32 $0x0, s0;
	_ =	swait.ge [sflag:s23], $0x800  }
0x6e: {  	v11 =	vsub.f32 v11, v12;
	s3 =	sand.u32 $0x70, s18;
	v12 =	vmul.f32 v16, v12;
	v16 =	vmul.f32 v18, v13;
	s0 =	sand.u32 $0x3F80, s0;
	[sflag:s23] =	ssyncset.done $0x0  }
0x6f: {  	v6 =	vadd.f32 v17, v6;
	v7 =	vsub.f32 v7, v14;
	v14 =	vmul.f32 v20, v14;
	s0 =	sor.u32 s3, s0;
	[sflag:s23] =	ssyncadd.s32 $0xFFFFF800  }
0x70: {  	v13 =	vmul.f32 $5.000000000e-01, v19;
	v11 =	vadd.f32 v12, v11;
	v8 =	vadd.f32 v16, v8;
	v12 =	vld [tilespmem:s0+$0x4980]  }
0x71: {  	v6 =	vadd.f32 v9, v6;
	v9 =	vsub.f32 v10, v19;
	v10 =	vld [tilespmem:s0+$0x6900]  }
0x72: {  	v7 =	vadd.f32 v14, v7;
	v13 =	vmul.f32 v13, v19;
	v8 =	vadd.f32 v11, v8;
	v11 =	vld [tilespmem:s0+$0x6980]  }
0x73: {  	v2 =	vmul.f32 v5, v2;
	v5 =	vadd.f32 v15, v6;
	v6 =	vld [tilespmem:s0+$0x6800]  }
0x74: {  	vm0 =	vmmov vm0;
	v9 =	vadd.f32 v13, v9;
	v7 =	vadd.f32 v7, v8;
	v8 =	vld [tilespmem:s0+$0x4900]  }
0x75: {  	vm1 =	veq.s32 v4, $0x1;
	v4 =	vsel vm0, $0x3F800000, v0;
	v1 =	vadd.f32 v2, v1;
	v2 =	vld [tilespmem:s0+$0x4800]  }
0x76: {  	s17 =	simm.s32 $0x0;
	v5 =	vmul.f32 v5, v4;
	v7 =	vadd.f32 v9, v7;
	v9 =	vld [tilespmem:s0+$0x6880]  }
0x77: {  	vm0 =	vmmov vm1;
	s18 =	simm.s32 $0x8800;
	s3 =	smul.u32 $0x180, s17;
	v14 =	vld [tilespmem:s0+$0x4880]  }
0x78: {  	v13 =	vsel vm0, $0x3F800000, v0;
	v1 =	vadd.f32 v5, v1;
	v5 =	vld [tilespmem:s18+$0x0]  }
0x79: {  	v3 =	vadd.f32 v4, v3;
	s17 =	simm.s32 $0x10;
	s3 =	sadd.s32 $0x10, s3;
	v4 =	vmul.f32 v7, v13  }
0x7a: {  	s3 =	sand.u32 $0x3F80, s3;
	s0 =	sand.u32 $0x70, s17  }
0x7b: {  	v3 =	vadd.f32 v13, v3;
	s0 =	sor.u32 s0, s3;
	v1 =	vadd.f32 v4, v1  }
0x7c: {  	s18 =	simm.s32 $0x8810;
	v19 =	vld [tilespmem:s0+$0x4800];
	v4 =	vsub.f32 v12, v11;
	v7 =	vsub.f32 v8, v10  }
0x7d: {  	v8 =	vld [tilespmem:s18+$0x0];
	v2 =	vsub.f32 v2, v6;
	v9 =	vsub.f32 v14, v9;
	vm1 =	veq.s32 v5, $0x1  }
0x7e: {  	v6 =	vld [tilespmem:s0+$0x4980];
	vm1 =	vmmov vm1;
	v4 =	vand.u32 $0x7FFFFFFF, v4;
	v5 =	vand.u32 $0x7FFFFFFF, v7  }
0x7f: {  	v14 =	vld [tilespmem:s0+$0x6800];
	v11 =	vand.u32 $0x7FFFFFFF, v2;
	v9 =	vand.u32 $0x7FFFFFFF, v9;
	v10 =	vmin.f32 v4, $1.000000000e+00  }
0x80: {  	v2 =	vld [tilespmem:s0+$0x6980];
	v12 =	vmin.f32 v5, $1.000000000e+00;
	v15 =	vmin.f32 v9, $1.000000000e+00;
	v20 =	vmin.f32 v11, $1.000000000e+00  }
0x81: {  	v7 =	vld [tilespmem:s0+$0x6900];
	v13 =	vmul.f32 $5.000000000e-01, v10;
	v17 =	vsub.f32 v5, v12;
	v18 =	vmul.f32 $5.000000000e-01, v15  }
0x82: {  	s18 =	simm.s32 $0x0;
	v16 =	vmul.f32 $5.000000000e-01, v12;
	v5 =	vld [tilespmem:s0+$0x4900];
	v9 =	vsub.f32 v9, v15;
	v4 =	vsub.f32 v4, v10  }
0x83: {  	s3 =	smul.u32 $0x180, s18;
	vm0 =	veq.s32 v8, $0x1;
	v8 =	vld [tilespmem:s0+$0x4880];
	v13 =	vmul.f32 v13, v10;
	v15 =	vmul.f32 v18, v15  }
0x84: {  	v11 =	vsub.f32 v11, v20;
	v12 =	vmul.f32 v16, v12;
	v10 =	vld [tilespmem:s0+$0x6880];
	v16 =	vmul.f32 $5.000000000e-01, v20  }
0x85: {  	s31 =	simm.s32 $0x20;
	s17 =	sadd.s32 $0x20, s3;
	v6 =	vsub.f32 v6, v2;
	v2 =	vsel vm1, $0x3F800000, v0;
	v15 =	vadd.f32 v15, v9  }
0x86: {  	s18 =	sand.u32 $0x70, s31;
	s0 =	sand.u32 $0x3F80, s17;
	v9 =	vmul.f32 v16, v20;
	v16 =	vadd.f32 v12, v17;
	v3 =	vadd.f32 v2, v3  }
0x87: {  	s0 =	sor.u32 s18, s0;
	v7 =	vsub.f32 v5, v7;
	v5 =	vadd.f32 v13, v4  }
0x88: {  	s3 =	simm.s32 $0x8820;
	v12 =	vld [tilespmem:s0+$0x6980];
	v22 =	vand.u32 $0x7FFFFFFF, v6;
	v6 =	vsub.f32 v19, v14;
	v11 =	vadd.f32 v9, v11  }
0x89: {  	v4 =	vld [tilespmem:s3+$0x0];
	v19 =	vmin.f32 v22, $1.000000000e+00;
	v13 =	vand.u32 $0x7FFFFFFF, v7;
	v8 =	vsub.f32 v8, v10  }
0x8a: {  	v9 =	vld [tilespmem:s0+$0x4980];
	v6 =	vand.u32 $0x7FFFFFFF, v6;
	v17 =	vmul.f32 $5.000000000e-01, v19;
	v14 =	vmin.f32 v13, $1.000000000e+00  }
0x8b: {  	v7 =	vld [tilespmem:s0+$0x6900];
	v11 =	vadd.f32 v15, v11;
	v21 =	vand.u32 $0x7FFFFFFF, v8;
	v23 =	vmul.f32 $5.000000000e-01, v14  }
0x8c: {  	v8 =	vld [tilespmem:s0+$0x6800];
	v10 =	vsub.f32 v13, v14;
	v15 =	vmul.f32 v17, v19;
	v18 =	vmin.f32 v21, $1.000000000e+00  }
0x8d: {  	v13 =	vld [tilespmem:s0+$0x4900];
	v19 =	vsub.f32 v22, v19;
	v20 =	vmul.f32 $5.000000000e-01, v18;
	v17 =	vsub.f32 v21, v18  }
0x8e: {  	s17 =	simm.s32 $0x3;
	v21 =	vadd.f32 v16, v11;
	v11 =	vld [tilespmem:s0+$0x4800];
	v16 =	vmin.f32 v6, $1.000000000e+00;
	v14 =	vmul.f32 v23, v14  }
.LBB2_5:
0x8f: {  	v18 =	vmul.f32 v20, v18  }
0x90: {  	s18 =	sshrl.u32 s17, $0x3;
	p1 =	sne.s32 s17, $0x7F;
	s17 =	sadd.s32 $0x1, s17;
	v22 =	vld [tilespmem:s0+$0x6880];
	v20 =	vadd.f32 v5, v21;
	vm1 =	vmmov vm0;
	vm0 =	veq.s32 v4, $0x1  }
0x91: {  	s18 =	smul.u32 $0x180, s18;
	v21 =	vld [tilespmem:s0+$0x4880];
	v4 =	vsub.f32 v9, v12;
	v9 =	vsel vm1, $0x3F800000, v0;
	v12 =	vmul.f32 $5.000000000e-01, v16  }
0x92: {  	s31 =	sadd.s32 $0x10, s31;
	v5 =	vadd.f32 v15, v19;
	v17 =	vadd.f32 v18, v17;
	v15 =	vmul.f32 v20, v2;
	v2 =	vmovc v9  }
0x93: {  	v6 =	vsub.f32 v6, v16;
	s0 =	sadd.s32 s18, s31;
	v7 =	vsub.f32 v13, v7;
	v9 =	vmul.f32 v12, v16  }
0x94: {  	s3 =	sadd.s32 $0x10, s3;
	v14 =	vadd.f32 v14, v10;
	s18 =	sand.u32 $0x70, s31;
	v19 =	vand.u32 $0x7FFFFFFF, v4;
	s0 =	sand.u32 $0x3F80, s0;
	v1 =	vadd.f32 v15, v1  }
0x95: {  	v8 =	vsub.f32 v11, v8;
	v4 =	vld [tilespmem:s3+$0x0];
	s0 =	sor.u32 s18, s0;
	v10 =	vand.u32 $0x7FFFFFFF, v7;
	v11 =	vadd.f32 v9, v6  }
0x96: {  	v3 =	vadd.f32 v2, v3;
	v9 =	vld [tilespmem:s0+$0x4980];
	v13 =	vsub.f32 v21, v22;
	v22 =	vmin.f32 v19, $1.000000000e+00  }
.Ltmp3:
0x97: {  	v6 =	vand.u32 $0x7FFFFFFF, v8;
	v23 =	vmin.f32 v10, $1.000000000e+00;
	v7 =	vld [tilespmem:s0+$0x6900];
	v15 =	vmul.f32 $5.000000000e-01, v22;
	(pc) =	sbr.rel @p1 .LBB2_5-.Ltmp3, $4  }
0x98: {  	v24 =	vmul.f32 $5.000000000e-01, v23;
	v11 =	vadd.f32 v17, v11;
	v12 =	vld [tilespmem:s0+$0x6980];
	v16 =	vand.u32 $0x7FFFFFFF, v13  }
0x99: {  	v10 =	vsub.f32 v10, v23;
	v8 =	vld [tilespmem:s0+$0x6800];
	v18 =	vmin.f32 v16, $1.000000000e+00;
	v15 =	vmul.f32 v15, v22  }
0x9a: {  	v21 =	vadd.f32 v14, v11;
	v13 =	vld [tilespmem:s0+$0x4900];
	v20 =	vmul.f32 $5.000000000e-01, v18;
	v17 =	vsub.f32 v16, v18  }
0x9b: {  	v19 =	vsub.f32 v19, v22;
	v14 =	vmul.f32 v24, v23;
	v16 =	vmin.f32 v6, $1.000000000e+00;
	v11 =	vld [tilespmem:s0+$0x4800]  }
0x9c: {  	v22 =	vld [tilespmem:s0+$0x6880]  }
0x9d: {  	v23 =	vld [tilespmem:s0+$0x4880];
	_ =	sdelay $0x1  }
0x9e: {  	v5 =	vadd.f32 v5, v21  }
0x9f: {  	v50 =	vmul.f32 $5.000000000e-01, v16;
	v6 =	vsub.f32 v6, v16;
	v9 =	vsub.f32 v9, v12  }
0xa0: {  	v18 =	vmul.f32 v20, v18;
	v15 =	vadd.f32 v15, v19;
	v10 =	vadd.f32 v14, v10  }
0xa1: {  	v12 =	vmul.f32 v50, v16;
	v8 =	vsub.f32 v11, v8;
	v51 =	vsub.f32 v23, v22  }
0xa2: {  	v17 =	vadd.f32 v18, v17;
	v7 =	vsub.f32 v13, v7;
	v9 =	vand.u32 $0x7FFFFFFF, v9  }
0xa3: {  	v6 =	vadd.f32 v12, v6;
	v8 =	vand.u32 $0x7FFFFFFF, v8;
	v11 =	vand.u32 $0x7FFFFFFF, v51  }
0xa4: {  	v7 =	vand.u32 $0x7FFFFFFF, v7;
	v53 =	vmin.f32 v8, $1.000000000e+00;
	v52 =	vmin.f32 v11, $1.000000000e+00  }
0xa5: {  	v54 =	vmin.f32 v7, $1.000000000e+00;
	v56 =	vmul.f32 $5.000000000e-01, v53;
	v55 =	vmul.f32 $5.000000000e-01, v52  }
0xa6: {  	v57 =	vmin.f32 v9, $1.000000000e+00;
	v58 =	vmul.f32 $5.000000000e-01, v54;
	v8 =	vsub.f32 v8, v53  }
0xa7: {  	v11 =	vsub.f32 v11, v52;
	v59 =	vmul.f32 v56, v53;
	v12 =	vmul.f32 v55, v52  }
0xa8: {  	v60 =	vmul.f32 $5.000000000e-01, v57;
	v6 =	vadd.f32 v17, v6;
	v7 =	vsub.f32 v7, v54  }
0xa9: {  	v14 =	vmul.f32 v58, v54;
	v8 =	vadd.f32 v59, v8;
	v11 =	vadd.f32 v12, v11  }
0xaa: {  	v9 =	vsub.f32 v9, v57;
	v61 =	vmul.f32 v60, v57;
	v6 =	vadd.f32 v10, v6  }
0xab: {  	v7 =	vadd.f32 v14, v7;
	v8 =	vadd.f32 v11, v8  }
0xac: {  	vm0 =	vmmov vm0;
	vm1 =	veq.s32 v4, $0x1;
	v62 =	vadd.f32 v61, v9  }
0xad: {  	v2 =	vmul.f32 v5, v2;
	v5 =	vadd.f32 v15, v6;
	v7 =	vadd.f32 v7, v8  }
0xae: {  	v4 =	vsel vm0, $0x3F800000, v0;
	vm15 =	vmmov vm1  }
0xaf: {  	v1 =	vadd.f32 v2, v1;
	v2 =	vmul.f32 v5, v4;
	v5 =	vadd.f32 v62, v7  }
.Ltmp4:
0xb0: {  	v63 =	vsel vm15, $0x3F800000, v0;
	(pc) =	sbr.rel @p0 .LBB2_8-.Ltmp4, $4  }
0xb1: {  	v1 =	vadd.f32 v2, v1;
	v2 =	vmul.f32 v5, v63  }
0xb2: {  	v3 =	vadd.f32 v4, v3  }
0xb3: {  	v1 =	vadd.f32 v2, v1  }
0xb4: {  	v3 =	vadd.f32 v63, v3  }
0xb5: {  	s0 =	sadd.s32 s30, s13  }
0xb6: {  	s3 =	sshrl.u32 s0, $0x1  }
0xb7: {  	s17 =	sadd.s32 s1, s3  }
0xb8: {  	[tilespmem:s19], [sflag:$0x2] =	stream.linear.gather [hbm4b:s17+s5], $0x2000, $0x38;
	[tilespmem:$0x9100] =	vst v63  }
.Ltmp5:
0xb9: {  	_ = 	snop;
	(pc) =	sbr.rel .LBB2_2-.Ltmp5, $4  }
0xba: {  	s0 =	sshrl.u32 s0, $0x3;
	s3 =	sadd.s32 s4, s3  }
0xbb: {  	[tilespmem:s20], [sflag:$0x2] =	stream.linear.gather [hbm4b:s3+s5], $0x2000, $0x38;
	[tilespmem:$0x9100] =	vst v63  }
0xbc: {  	s29 =	sadd.s32 $0x1, s29;
	s0 =	sadd.s32 s2, s0  }
0xbd: {  	[tilespmem:s21], [sflag:$0x2] =	stream.linear.gather [hbm4b:s0+s5], $0x800, $0x38;
	[tilespmem:$0x9100] =	vst v63  }
.LBB2_9:
0xbe: {  	_ =	sfence.sel $0x180000  }
0xbf: {  	[bflag:$0x0] =	sbarrier.arrive $0xFFFF  }
0xc0: {  	_ =	strace $0x90000047  }
0xc1: {  	s0 =	stileid.u32;
	[bflag:$0x2] =	sbarrier.arrive $0xFFFF  }
0xc2: {  	p0 =	sne.s32 s0, $0x0;
	s0 =	rddreg [dreg:$0x4]  }
0xc3: {  	s0 =	sadd.s32 @!p0 $0x100000, s0  }
0xc4: {  	[sflag:s0] =	ssyncadd.tile.s32 @!p0 $0x1;
	_ =	shalt  }
.Lfunc_end2:
_tile_overlayer_lowered:
.L_overlay_start_2:
0xc5: {  	(tag) =	ssettag $0x2  }
0xc6: {  	s0 =	rddreg [dreg:$0x0];
	s2 =	stileid.u32  }
0xc7: {  	s1 =	rddreg [dreg:$0x1];
	p0 =	sne.s32 s2, $0x0  }
0xc8: {  	s3 =	rddreg [dreg:$0x2];
	[bflag:$0x3] =	sbarrier.arrive $0xFFFF;
	s2 =	simm.s32 @!p0 $0x1C03  }
0xc9: {  	[timem:s3], [sflag:s2] =	dma.local @!p0 [hbm:s0], s1  }
0xca: {  	s0 =	simm.s32 @!p0 $0x3  }
0xcb: {  	_ =	swait.ge @!p0 [sflag:s0], s1  }
0xcc: {  	s1 =	ssub.s32 @!p0 $0x0, s1;
	[sflag:s0] =	ssyncset.done @!p0 $0x0  }
0xcd: {  	[sflag:s0] =	ssyncadd.s32 @!p0 s1  }
0xce: {  	[bflag:$0x3] =	sbarrier.arrive $0xFFFF  }
0xcf: {  	_ =	shalt  }

</sc_bundles>
